<compile_context>
chip_gen: v7x
topology: tpu7x:2x2x1
jax: 0.10.2.dev20260603
libtpu: 0.0.44.dev20260713+nightly
codegen_flags: <defaults>
</compile_context>

<pallas_src>
import functools

import jax
import jax.numpy as jnp
from jax import lax
from jax.experimental import pallas as pl
from jax.experimental.pallas import tpu as pltpu
from jax.experimental.pallas import tpu_sc as plsc

N_REL = 100
ARITY = 32
DIM = 128
BATCH = 16384
PAIRS = ARITY * (ARITY - 1)


@functools.cache
def _build():
    info = plsc.get_sparse_core_info()
    nc, ns = info.num_cores, info.num_subcores
    nw = nc * ns
    b_per_w = BATCH // nw
    n_grp = b_per_w // 16
    mesh = plsc.VectorSubcoreMesh(core_axis_name="c", subcore_axis_name="s")

    @functools.partial(
        pl.kernel,
        mesh=mesh,
        out_type=jax.ShapeDtypeStruct((BATCH, DIM), jnp.float32),
        scratch_types=[
            pltpu.VMEM((3, b_per_w), jnp.int32),
            pltpu.VMEM((b_per_w,), jnp.int32),
            pltpu.VMEM((b_per_w, DIM), jnp.float32),
            pltpu.SemaphoreType.DMA,
        ],
    )
    def sc_gather(br_hbm, table_hbm, out_hbm, br_v, idx_v, rows_v, sem):
        wid = lax.axis_index("s") * nc + lax.axis_index("c")
        base = wid * b_per_w
        pltpu.sync_copy(br_hbm.at[:, pl.ds(base, b_per_w)], br_v)
        for g in range(n_grp):
            i_r = br_v[0, pl.ds(g * 16, 16)]
            i1 = br_v[1, pl.ds(g * 16, 16)]
            i2 = br_v[2, pl.ds(g * 16, 16)]
            i2_adj = jnp.where(i2 > i1, i2 - 1, i2)
            flat = i_r * PAIRS + i1 * (ARITY - 1) + i2_adj
            idx_v[pl.ds(g * 16, 16)] = flat
        pltpu.async_copy(table_hbm.at[idx_v], rows_v, sem).wait()
        pltpu.sync_copy(rows_v, out_hbm.at[pl.ds(base, b_per_w)])

    return sc_gather


def kernel(batch_rels, table):
    return _build()(batch_rels.T, table)

# --- scband reference (transcript-rebuilt; emitter-appended) ---
"""Pipeline reference for scband-binarized-relation-encoder-84387517432581 (READ-ONLY COPY).

The authoritative reference and input builder live on the scoring server;
editing this copy changes nothing except your own understanding.
"""

import jax, jax.numpy as jnp
import numpy as np

N_REL = 100
ARITY = 32
DIM_REL = 128
BATCH = 16384
PAIRS = ARITY * (ARITY - 1)  # ordered pairs (i_emb1 != i_emb2) per relation
NUM_KEYS = N_REL * PAIRS      # 99200 flat parameter rows


def setup_inputs(seed: int = 0) -> dict:
    key = jax.random.key(seed)
    k1, k2, k3, k4 = jax.random.split(key, 4)
    # batch_rels columns: (relation index, arg1 position, arg2 position), arg1 != arg2
    i_r = jax.random.randint(k1, (BATCH,), 0, N_REL)
    i1 = jax.random.randint(k2, (BATCH,), 0, ARITY)
    i2_raw = jax.random.randint(k3, (BATCH,), 0, ARITY - 1)
    i2 = i2_raw + (i2_raw >= i1).astype(i2_raw.dtype)  # skip the diagonal -> i2 != i1
    batch_rels = jnp.stack([i_r, i1, i2], axis=1).astype(jnp.int32)
    # Flattened ParameterDict: one row per (i_r, i_emb1, i_emb2) key, in the
    # same enumeration order as the torch __init__ loops.
    table = jax.random.normal(k4, (NUM_KEYS, DIM_REL), dtype=jnp.float32) * (1.0 / DIM_REL ** 0.5)
    return {"batch_rels": batch_rels, "table": table}


def _flat_key(batch_rels):
    i_r = batch_rels[:, 0]
    i1 = batch_rels[:, 1]
    i2 = batch_rels[:, 2]
    # within a relation, keys are enumerated for i_emb1 in range(arity),
    # i_emb2 in range(arity) skipping i_emb2 == i_emb1
    i2_adj = i2 - (i2 > i1).astype(i2.dtype)
    return i_r * PAIRS + i1 * (ARITY - 1) + i2_adj


def reference(batch_rels, table):
    flat = _flat_key(batch_rels)
    # per-key embedding lookup, then concat over the batch (dim=0 cat of [1, D] rows)
    out = jnp.take(table, flat, axis=0)
    return out

if __name__ == "__main__":
    import jax
    _d = setup_inputs()
    print(jax.jit(kernel)(*tuple(_d.values())))

</pallas_src>

<mosaic_0001>
#map = affine_map<(d0, d1) -> (0, 0)>
module attributes {stable_mosaic.version = 14 : i64} {
  func.func @sc_gather(%arg0: i32, %arg1: i32, %arg2: memref<3x16384xi32, #tpu.memory_space<hbm>>, %arg3: memref<99200x128xf32, #tpu.memory_space<hbm>>, %arg4: memref<16384x128xf32, #tpu.memory_space<hbm>>, %arg5: memref<3x512xi32, #tpu.memory_space<vmem>>, %arg6: memref<512xi32, #tpu.memory_space<vmem>>, %arg7: memref<512x128xf32, #tpu.memory_space<vmem>>, %arg8: memref<!tpu.dma_semaphore, #tpu.memory_space<semaphore_mem>>) attributes {dimension_semantics = [#tpu.dimension_semantics<core_parallel>, #tpu.dimension_semantics<subcore_parallel>], iteration_bounds = array<i64: 2, 16>, scalar_prefetch = 0 : i64, scratch_operands = 4 : i64, tpu.core_type = #tpu.core_type<sc_vector_subcore>, window_params = [{transform_indices = #map}, {transform_indices = #map}, {transform_indices = #map}]} {
    %mul3A = arith.constant 2 : i32
    %mul3A_0 = arith.muli %arg1, %mul3A : i32
    %add3A = arith.addi %mul3A_0, %arg0 : i32
    %mul3A_1 = arith.constant 512 : i32
    %mul3A_2 = arith.muli %add3A, %mul3A_1 : i32
    "tpu.region"() ({
      %run_scoped3A = tpu.sem_alloc : memref<!tpu.dma_semaphore, #tpu.memory_space<semaphore_mem>>
      %dma_start3A_1026 = arith.constant 0 : i32
      %dma_start3A_1027 = tpu.memref_slice %arg2[%dma_start3A_1026, %mul3A_2] : memref<3x16384xi32, #tpu.memory_space<hbm>> -> memref<3x512xi32, #tpu.memory_space<hbm>>
      %dma_start3A_1028 = arith.constant 0 : i32
      %dma_start3A_1029 = tpu.memref_slice %arg2[%dma_start3A_1028, %mul3A_2] : memref<3x16384xi32, #tpu.memory_space<hbm>> -> memref<3x512xi32, #tpu.memory_space<hbm>>
      tpu.enqueue_dma source(%dma_start3A_1029 : memref<3x512xi32, #tpu.memory_space<hbm>>) target(%arg5 : memref<3x512xi32, #tpu.memory_space<vmem>>) target_semaphore(%run_scoped3A : memref<!tpu.dma_semaphore, #tpu.memory_space<semaphore_mem>>)
      %dma_wait3A_1030 = arith.constant 0 : i32
      %dma_wait3A_1031 = tpu.memref_slice %arg2[%dma_wait3A_1030, %mul3A_2] : memref<3x16384xi32, #tpu.memory_space<hbm>> -> memref<3x512xi32, #tpu.memory_space<hbm>>
      %dma_wait3A_1032 = arith.constant 0 : i32
      %dma_wait3A_1033 = tpu.memref_slice %arg2[%dma_wait3A_1032, %mul3A_2] : memref<3x16384xi32, #tpu.memory_space<hbm>> -> memref<3x512xi32, #tpu.memory_space<hbm>>
      tpu.wait_dma2 semaphore(%run_scoped3A : memref<!tpu.dma_semaphore, #tpu.memory_space<semaphore_mem>>) src(%dma_wait3A_1033 : memref<3x512xi32, #tpu.memory_space<hbm>>) dst(%arg5 : memref<3x512xi32, #tpu.memory_space<vmem>>)
      tpu.yield
    }) : () -> ()
    %get3A = arith.constant 0 : i32
    %get3A_3 = arith.index_cast %get3A : i32 to index
    %get3A_4 = arith.constant 0 : index
    %get3A_5 = tpu.vector_load %arg5[%get3A_3, %get3A_4] {strides = array<i32>} : memref<3x512xi32, #tpu.memory_space<vmem>>, vector<1x16xi32>,
    %get3A_6 = vector.shape_cast %get3A_5 : vector<1x16xi32> to vector<16xi32>
    %get3A_7 = arith.constant 1 : i32
    %get3A_8 = arith.index_cast %get3A_7 : i32 to index
    %get3A_9 = arith.constant 0 : index
    %get3A_10 = tpu.vector_load %arg5[%get3A_8, %get3A_9] {strides = array<i32>} : memref<3x512xi32, #tpu.memory_space<vmem>>, vector<1x16xi32>,
    %get3A_11 = vector.shape_cast %get3A_10 : vector<1x16xi32> to vector<16xi32>
    %get3A_12 = arith.constant 2 : i32
    %get3A_13 = arith.index_cast %get3A_12 : i32 to index
    %get3A_14 = arith.constant 0 : index
    %get3A_15 = tpu.vector_load %arg5[%get3A_13, %get3A_14] {strides = array<i32>} : memref<3x512xi32, #tpu.memory_space<vmem>>, vector<1x16xi32>,
    %get3A_16 = vector.shape_cast %get3A_15 : vector<1x16xi32> to vector<16xi32>
    %gt3A = arith.cmpi sgt, %get3A_16, %get3A_11 : vector<16xi32>
    %sub3A = arith.constant 1 : i32
    %sub3A_17 = vector.broadcast %sub3A : i32 to vector<16xi32>
    %sub3A_18 = arith.subi %get3A_16, %sub3A_17 : vector<16xi32>
    %select_n3A = arith.select %gt3A, %sub3A_18, %get3A_16 : vector<16xi1>, vector<16xi32>
    %mul3A_19 = arith.constant 992 : i32
    %mul3A_20 = vector.broadcast %mul3A_19 : i32 to vector<16xi32>
    %mul3A_21 = arith.muli %get3A_6, %mul3A_20 : vector<16xi32>
    %mul3A_22 = arith.constant 31 : i32
    %mul3A_23 = vector.broadcast %mul3A_22 : i32 to vector<16xi32>
    %mul3A_24 = arith.muli %get3A_11, %mul3A_23 : vector<16xi32>
    %add3A_25 = arith.addi %mul3A_21, %mul3A_24 : vector<16xi32>
    %add3A_26 = arith.addi %add3A_25, %select_n3A : vector<16xi32>
    %swap3A = arith.constant 0 : index
    %swap3A_27 = tpu.vector_load %arg6[%swap3A] {strides = array<i32>} : memref<512xi32, #tpu.memory_space<vmem>>, vector<16xi32>,
    %swap3A_28 = vector.shape_cast %swap3A_27 : vector<16xi32> to vector<16xi32>
    %swap3A_29 = vector.shape_cast %add3A_26 : vector<16xi32> to vector<16xi32>
    tpu.vector_store %arg6[%swap3A], %swap3A_29 {strides = array<i32>} : memref<512xi32, #tpu.memory_space<vmem>>, vector<16xi32>,
    %get3A_30 = arith.constant 0 : i32
    %get3A_31 = arith.index_cast %get3A_30 : i32 to index
    %get3A_32 = arith.constant 16 : index
    %get3A_33 = tpu.vector_load %arg5[%get3A_31, %get3A_32] {strides = array<i32>} : memref<3x512xi32, #tpu.memory_space<vmem>>, vector<1x16xi32>,
    %get3A_34 = vector.shape_cast %get3A_33 : vector<1x16xi32> to vector<16xi32>
    %get3A_35 = arith.constant 1 : i32
    %get3A_36 = arith.index_cast %get3A_35 : i32 to index
    %get3A_37 = arith.constant 16 : index
    %get3A_38 = tpu.vector_load %arg5[%get3A_36, %get3A_37] {strides = array<i32>} : memref<3x512xi32, #tpu.memory_space<vmem>>, vector<1x16xi32>,
    %get3A_39 = vector.shape_cast %get3A_38 : vector<1x16xi32> to vector<16xi32>
    %get3A_40 = arith.constant 2 : i32
    %get3A_41 = arith.index_cast %get3A_40 : i32 to index
    %get3A_42 = arith.constant 16 : index
    %get3A_43 = tpu.vector_load %arg5[%get3A_41, %get3A_42] {strides = array<i32>} : memref<3x512xi32, #tpu.memory_space<vmem>>, vector<1x16xi32>,
    %get3A_44 = vector.shape_cast %get3A_43 : vector<1x16xi32> to vector<16xi32>
    %gt3A_45 = arith.cmpi sgt, %get3A_44, %get3A_39 : vector<16xi32>
    %sub3A_46 = arith.constant 1 : i32
    %sub3A_47 = vector.broadcast %sub3A_46 : i32 to vector<16xi32>
    %sub3A_48 = arith.subi %get3A_44, %sub3A_47 : vector<16xi32>
    %select_n3A_49 = arith.select %gt3A_45, %sub3A_48, %get3A_44 : vector<16xi1>, vector<16xi32>
    %mul3A_50 = arith.constant 992 : i32
    %mul3A_51 = vector.broadcast %mul3A_50 : i32 to vector<16xi32>
    %mul3A_52 = arith.muli %get3A_34, %mul3A_51 : vector<16xi32>
    %mul3A_53 = arith.constant 31 : i32
    %mul3A_54 = vector.broadcast %mul3A_53 : i32 to vector<16xi32>
    %mul3A_55 = arith.muli %get3A_39, %mul3A_54 : vector<16xi32>
    %add3A_56 = arith.addi %mul3A_52, %mul3A_55 : vector<16xi32>
    %add3A_57 = arith.addi %add3A_56, %select_n3A_49 : vector<16xi32>
    %swap3A_58 = arith.constant 16 : index
    %swap3A_59 = tpu.vector_load %arg6[%swap3A_58] {strides = array<i32>} : memref<512xi32, #tpu.memory_space<vmem>>, vector<16xi32>,
    %swap3A_60 = vector.shape_cast %swap3A_59 : vector<16xi32> to vector<16xi32>
    %swap3A_61 = vector.shape_cast %add3A_57 : vector<16xi32> to vector<16xi32>
    tpu.vector_store %arg6[%swap3A_58], %swap3A_61 {strides = array<i32>} : memref<512xi32, #tpu.memory_space<vmem>>, vector<16xi32>,
    %get3A_62 = arith.constant 0 : i32
    %get3A_63 = arith.index_cast %get3A_62 : i32 to index
    %get3A_64 = arith.constant 32 : index
    %get3A_65 = tpu.vector_load %arg5[%get3A_63, %get3A_64] {strides = array<i32>} : memref<3x512xi32, #tpu.memory_space<vmem>>, vector<1x16xi32>,
    %get3A_66 = vector.shape_cast %get3A_65 : vector<1x16xi32> to vector<16xi32>
    %get3A_67 = arith.constant 1 : i32
    %get3A_68 = arith.index_cast %get3A_67 : i32 to index
    %get3A_69 = arith.constant 32 : index
    %get3A_70 = tpu.vector_load %arg5[%get3A_68, %get3A_69] {strides = array<i32>} : memref<3x512xi32, #tpu.memory_space<vmem>>, vector<1x16xi32>,
    %get3A_71 = vector.shape_cast %get3A_70 : vector<1x16xi32> to vector<16xi32>
    %get3A_72 = arith.constant 2 : i32
    %get3A_73 = arith.index_cast %get3A_72 : i32 to index
    %get3A_74 = arith.constant 32 : index
    %get3A_75 = tpu.vector_load %arg5[%get3A_73, %get3A_74] {strides = array<i32>} : memref<3x512xi32, #tpu.memory_space<vmem>>, vector<1x16xi32>,
    %get3A_76 = vector.shape_cast %get3A_75 : vector<1x16xi32> to vector<16xi32>
    %gt3A_77 = arith.cmpi sgt, %get3A_76, %get3A_71 : vector<16xi32>
    %sub3A_78 = arith.constant 1 : i32
    %sub3A_79 = vector.broadcast %sub3A_78 : i32 to vector<16xi32>
    %sub3A_80 = arith.subi %get3A_76, %sub3A_79 : vector<16xi32>
    %select_n3A_81 = arith.select %gt3A_77, %sub3A_80, %get3A_76 : vector<16xi1>, vector<16xi32>
    %mul3A_82 = arith.constant 992 : i32
    %mul3A_83 = vector.broadcast %mul3A_82 : i32 to vector<16xi32>
    %mul3A_84 = arith.muli %get3A_66, %mul3A_83 : vector<16xi32>
    %mul3A_85 = arith.constant 31 : i32
    %mul3A_86 = vector.broadcast %mul3A_85 : i32 to vector<16xi32>
    %mul3A_87 = arith.muli %get3A_71, %mul3A_86 : vector<16xi32>
    %add3A_88 = arith.addi %mul3A_84, %mul3A_87 : vector<16xi32>
    %add3A_89 = arith.addi %add3A_88, %select_n3A_81 : vector<16xi32>
    %swap3A_90 = arith.constant 32 : index
    %swap3A_91 = tpu.vector_load %arg6[%swap3A_90] {strides = array<i32>} : memref<512xi32, #tpu.memory_space<vmem>>, vector<16xi32>,
    %swap3A_92 = vector.shape_cast %swap3A_91 : vector<16xi32> to vector<16xi32>
    %swap3A_93 = vector.shape_cast %add3A_89 : vector<16xi32> to vector<16xi32>
    tpu.vector_store %arg6[%swap3A_90], %swap3A_93 {strides = array<i32>} : memref<512xi32, #tpu.memory_space<vmem>>, vector<16xi32>,
    %get3A_94 = arith.constant 0 : i32
    %get3A_95 = arith.index_cast %get3A_94 : i32 to index
    %get3A_96 = arith.constant 48 : index
    %get3A_97 = tpu.vector_load %arg5[%get3A_95, %get3A_96] {strides = array<i32>} : memref<3x512xi32, #tpu.memory_space<vmem>>, vector<1x16xi32>,
    %get3A_98 = vector.shape_cast %get3A_97 : vector<1x16xi32> to vector<16xi32>
    %get3A_99 = arith.constant 1 : i32
    %get3A_100 = arith.index_cast %get3A_99 : i32 to index
    %get3A_101 = arith.constant 48 : index
    %get3A_102 = tpu.vector_load %arg5[%get3A_100, %get3A_101] {strides = array<i32>} : memref<3x512xi32, #tpu.memory_space<vmem>>, vector<1x16xi32>,
    %get3A_103 = vector.shape_cast %get3A_102 : vector<1x16xi32> to vector<16xi32>
    %get3A_104 = arith.constant 2 : i32
    %get3A_105 = arith.index_cast %get3A_104 : i32 to index
    %get3A_106 = arith.constant 48 : index
    %get3A_107 = tpu.vector_load %arg5[%get3A_105, %get3A_106] {strides = array<i32>} : memref<3x512xi32, #tpu.memory_space<vmem>>, vector<1x16xi32>,
    %get3A_108 = vector.shape_cast %get3A_107 : vector<1x16xi32> to vector<16xi32>
    %gt3A_109 = arith.cmpi sgt, %get3A_108, %get3A_103 : vector<16xi32>
    %sub3A_110 = arith.constant 1 : i32
    %sub3A_111 = vector.broadcast %sub3A_110 : i32 to vector<16xi32>
    %sub3A_112 = arith.subi %get3A_108, %sub3A_111 : vector<16xi32>
    %select_n3A_113 = arith.select %gt3A_109, %sub3A_112, %get3A_108 : vector<16xi1>, vector<16xi32>
    %mul3A_114 = arith.constant 992 : i32
    %mul3A_115 = vector.broadcast %mul3A_114 : i32 to vector<16xi32>
    %mul3A_116 = arith.muli %get3A_98, %mul3A_115 : vector<16xi32>
    %mul3A_117 = arith.constant 31 : i32
    %mul3A_118 = vector.broadcast %mul3A_117 : i32 to vector<16xi32>
    %mul3A_119 = arith.muli %get3A_103, %mul3A_118 : vector<16xi32>
    %add3A_120 = arith.addi %mul3A_116, %mul3A_119 : vector<16xi32>
    %add3A_121 = arith.addi %add3A_120, %select_n3A_113 : vector<16xi32>
    %swap3A_122 = arith.constant 48 : index
    %swap3A_123 = tpu.vector_load %arg6[%swap3A_122] {strides = array<i32>} : memref<512xi32, #tpu.memory_space<vmem>>, vector<16xi32>,
    %swap3A_124 = vector.shape_cast %swap3A_123 : vector<16xi32> to vector<16xi32>
    %swap3A_125 = vector.shape_cast %add3A_121 : vector<16xi32> to vector<16xi32>
    tpu.vector_store %arg6[%swap3A_122], %swap3A_125 {strides = array<i32>} : memref<512xi32, #tpu.memory_space<vmem>>, vector<16xi32>,
    %get3A_126 = arith.constant 0 : i32
    %get3A_127 = arith.index_cast %get3A_126 : i32 to index
    %get3A_128 = arith.constant 64 : index
    %get3A_129 = tpu.vector_load %arg5[%get3A_127, %get3A_128] {strides = array<i32>} : memref<3x512xi32, #tpu.memory_space<vmem>>, vector<1x16xi32>,
    %get3A_130 = vector.shape_cast %get3A_129 : vector<1x16xi32> to vector<16xi32>
    %get3A_131 = arith.constant 1 : i32
    %get3A_132 = arith.index_cast %get3A_131 : i32 to index
    %get3A_133 = arith.constant 64 : index
    %get3A_134 = tpu.vector_load %arg5[%get3A_132, %get3A_133] {strides = array<i32>} : memref<3x512xi32, #tpu.memory_space<vmem>>, vector<1x16xi32>,
    %get3A_135 = vector.shape_cast %get3A_134 : vector<1x16xi32> to vector<16xi32>
    %get3A_136 = arith.constant 2 : i32
    %get3A_137 = arith.index_cast %get3A_136 : i32 to index
    %get3A_138 = arith.constant 64 : index
    %get3A_139 = tpu.vector_load %arg5[%get3A_137, %get3A_138] {strides = array<i32>} : memref<3x512xi32, #tpu.memory_space<vmem>>, vector<1x16xi32>,
    %get3A_140 = vector.shape_cast %get3A_139 : vector<1x16xi32> to vector<16xi32>
    %gt3A_141 = arith.cmpi sgt, %get3A_140, %get3A_135 : vector<16xi32>
    %sub3A_142 = arith.constant 1 : i32
    %sub3A_143 = vector.broadcast %sub3A_142 : i32 to vector<16xi32>
    %sub3A_144 = arith.subi %get3A_140, %sub3A_143 : vector<16xi32>
    %select_n3A_145 = arith.select %gt3A_141, %sub3A_144, %get3A_140 : vector<16xi1>, vector<16xi32>
    %mul3A_146 = arith.constant 992 : i32
    %mul3A_147 = vector.broadcast %mul3A_146 : i32 to vector<16xi32>
    %mul3A_148 = arith.muli %get3A_130, %mul3A_147 : vector<16xi32>
    %mul3A_149 = arith.constant 31 : i32
    %mul3A_150 = vector.broadcast %mul3A_149 : i32 to vector<16xi32>
    %mul3A_151 = arith.muli %get3A_135, %mul3A_150 : vector<16xi32>
    %add3A_152 = arith.addi %mul3A_148, %mul3A_151 : vector<16xi32>
    %add3A_153 = arith.addi %add3A_152, %select_n3A_145 : vector<16xi32>
    %swap3A_154 = arith.constant 64 : index
    %swap3A_155 = tpu.vector_load %arg6[%swap3A_154] {strides = array<i32>} : memref<512xi32, #tpu.memory_space<vmem>>, vector<16xi32>,
    %swap3A_156 = vector.shape_cast %swap3A_155 : vector<16xi32> to vector<16xi32>
    %swap3A_157 = vector.shape_cast %add3A_153 : vector<16xi32> to vector<16xi32>
    tpu.vector_store %arg6[%swap3A_154], %swap3A_157 {strides = array<i32>} : memref<512xi32, #tpu.memory_space<vmem>>, vector<16xi32>,
    %get3A_158 = arith.constant 0 : i32
    %get3A_159 = arith.index_cast %get3A_158 : i32 to index
    %get3A_160 = arith.constant 80 : index
    %get3A_161 = tpu.vector_load %arg5[%get3A_159, %get3A_160] {strides = array<i32>} : memref<3x512xi32, #tpu.memory_space<vmem>>, vector<1x16xi32>,
    %get3A_162 = vector.shape_cast %get3A_161 : vector<1x16xi32> to vector<16xi32>
    %get3A_163 = arith.constant 1 : i32
    %get3A_164 = arith.index_cast %get3A_163 : i32 to index
    %get3A_165 = arith.constant 80 : index
    %get3A_166 = tpu.vector_load %arg5[%get3A_164, %get3A_165] {strides = array<i32>} : memref<3x512xi32, #tpu.memory_space<vmem>>, vector<1x16xi32>,
    %get3A_167 = vector.shape_cast %get3A_166 : vector<1x16xi32> to vector<16xi32>
    %get3A_168 = arith.constant 2 : i32
    %get3A_169 = arith.index_cast %get3A_168 : i32 to index
    %get3A_170 = arith.constant 80 : index
    %get3A_171 = tpu.vector_load %arg5[%get3A_169, %get3A_170] {strides = array<i32>} : memref<3x512xi32, #tpu.memory_space<vmem>>, vector<1x16xi32>,
    %get3A_172 = vector.shape_cast %get3A_171 : vector<1x16xi32> to vector<16xi32>
    %gt3A_173 = arith.cmpi sgt, %get3A_172, %get3A_167 : vector<16xi32>
    %sub3A_174 = arith.constant 1 : i32
    %sub3A_175 = vector.broadcast %sub3A_174 : i32 to vector<16xi32>
    %sub3A_176 = arith.subi %get3A_172, %sub3A_175 : vector<16xi32>
    %select_n3A_177 = arith.select %gt3A_173, %sub3A_176, %get3A_172 : vector<16xi1>, vector<16xi32>
    %mul3A_178 = arith.constant 992 : i32
    %mul3A_179 = vector.broadcast %mul3A_178 : i32 to vector<16xi32>
    %mul3A_180 = arith.muli %get3A_162, %mul3A_179 : vector<16xi32>
    %mul3A_181 = arith.constant 31 : i32
    %mul3A_182 = vector.broadcast %mul3A_181 : i32 to vector<16xi32>
    %mul3A_183 = arith.muli %get3A_167, %mul3A_182 : vector<16xi32>
    %add3A_184 = arith.addi %mul3A_180, %mul3A_183 : vector<16xi32>
    %add3A_185 = arith.addi %add3A_184, %select_n3A_177 : vector<16xi32>
    %swap3A_186 = arith.constant 80 : index
    %swap3A_187 = tpu.vector_load %arg6[%swap3A_186] {strides = array<i32>} : memref<512xi32, #tpu.memory_space<vmem>>, vector<16xi32>,
    %swap3A_188 = vector.shape_cast %swap3A_187 : vector<16xi32> to vector<16xi32>
    %swap3A_189 = vector.shape_cast %add3A_185 : vector<16xi32> to vector<16xi32>
    tpu.vector_store %arg6[%swap3A_186], %swap3A_189 {strides = array<i32>} : memref<512xi32, #tpu.memory_space<vmem>>, vector<16xi32>,
    %get3A_190 = arith.constant 0 : i32
    %get3A_191 = arith.index_cast %get3A_190 : i32 to index
    %get3A_192 = arith.constant 96 : index
    %get3A_193 = tpu.vector_load %arg5[%get3A_191, %get3A_192] {strides = array<i32>} : memref<3x512xi32, #tpu.memory_space<vmem>>, vector<1x16xi32>,
    %get3A_194 = vector.shape_cast %get3A_193 : vector<1x16xi32> to vector<16xi32>
    %get3A_195 = arith.constant 1 : i32
    %get3A_196 = arith.index_cast %get3A_195 : i32 to index
    %get3A_197 = arith.constant 96 : index
    %get3A_198 = tpu.vector_load %arg5[%get3A_196, %get3A_197] {strides = array<i32>} : memref<3x512xi32, #tpu.memory_space<vmem>>, vector<1x16xi32>,
    %get3A_199 = vector.shape_cast %get3A_198 : vector<1x16xi32> to vector<16xi32>
    %get3A_200 = arith.constant 2 : i32
    %get3A_201 = arith.index_cast %get3A_200 : i32 to index
    %get3A_202 = arith.constant 96 : index
    %get3A_203 = tpu.vector_load %arg5[%get3A_201, %get3A_202] {strides = array<i32>} : memref<3x512xi32, #tpu.memory_space<vmem>>, vector<1x16xi32>,
    %get3A_204 = vector.shape_cast %get3A_203 : vector<1x16xi32> to vector<16xi32>
    %gt3A_205 = arith.cmpi sgt, %get3A_204, %get3A_199 : vector<16xi32>
    %sub3A_206 = arith.constant 1 : i32
    %sub3A_207 = vector.broadcast %sub3A_206 : i32 to vector<16xi32>
    %sub3A_208 = arith.subi %get3A_204, %sub3A_207 : vector<16xi32>
    %select_n3A_209 = arith.select %gt3A_205, %sub3A_208, %get3A_204 : vector<16xi1>, vector<16xi32>
    %mul3A_210 = arith.constant 992 : i32
    %mul3A_211 = vector.broadcast %mul3A_210 : i32 to vector<16xi32>
    %mul3A_212 = arith.muli %get3A_194, %mul3A_211 : vector<16xi32>
    %mul3A_213 = arith.constant 31 : i32
    %mul3A_214 = vector.broadcast %mul3A_213 : i32 to vector<16xi32>
    %mul3A_215 = arith.muli %get3A_199, %mul3A_214 : vector<16xi32>
    %add3A_216 = arith.addi %mul3A_212, %mul3A_215 : vector<16xi32>
    %add3A_217 = arith.addi %add3A_216, %select_n3A_209 : vector<16xi32>
    %swap3A_218 = arith.constant 96 : index
    %swap3A_219 = tpu.vector_load %arg6[%swap3A_218] {strides = array<i32>} : memref<512xi32, #tpu.memory_space<vmem>>, vector<16xi32>,
    %swap3A_220 = vector.shape_cast %swap3A_219 : vector<16xi32> to vector<16xi32>
    %swap3A_221 = vector.shape_cast %add3A_217 : vector<16xi32> to vector<16xi32>
    tpu.vector_store %arg6[%swap3A_218], %swap3A_221 {strides = array<i32>} : memref<512xi32, #tpu.memory_space<vmem>>, vector<16xi32>,
    %get3A_222 = arith.constant 0 : i32
    %get3A_223 = arith.index_cast %get3A_222 : i32 to index
    %get3A_224 = arith.constant 112 : index
    %get3A_225 = tpu.vector_load %arg5[%get3A_223, %get3A_224] {strides = array<i32>} : memref<3x512xi32, #tpu.memory_space<vmem>>, vector<1x16xi32>,
    %get3A_226 = vector.shape_cast %get3A_225 : vector<1x16xi32> to vector<16xi32>
    %get3A_227 = arith.constant 1 : i32
    %get3A_228 = arith.index_cast %get3A_227 : i32 to index
    %get3A_229 = arith.constant 112 : index
    %get3A_230 = tpu.vector_load %arg5[%get3A_228, %get3A_229] {strides = array<i32>} : memref<3x512xi32, #tpu.memory_space<vmem>>, vector<1x16xi32>,
    %get3A_231 = vector.shape_cast %get3A_230 : vector<1x16xi32> to vector<16xi32>
    %get3A_232 = arith.constant 2 : i32
    %get3A_233 = arith.index_cast %get3A_232 : i32 to index
    %get3A_234 = arith.constant 112 : index
    %get3A_235 = tpu.vector_load %arg5[%get3A_233, %get3A_234] {strides = array<i32>} : memref<3x512xi32, #tpu.memory_space<vmem>>, vector<1x16xi32>,
    %get3A_236 = vector.shape_cast %get3A_235 : vector<1x16xi32> to vector<16xi32>
    %gt3A_237 = arith.cmpi sgt, %get3A_236, %get3A_231 : vector<16xi32>
    %sub3A_238 = arith.constant 1 : i32
    %sub3A_239 = vector.broadcast %sub3A_238 : i32 to vector<16xi32>
    %sub3A_240 = arith.subi %get3A_236, %sub3A_239 : vector<16xi32>
    %select_n3A_241 = arith.select %gt3A_237, %sub3A_240, %get3A_236 : vector<16xi1>, vector<16xi32>
    %mul3A_242 = arith.constant 992 : i32
    %mul3A_243 = vector.broadcast %mul3A_242 : i32 to vector<16xi32>
    %mul3A_244 = arith.muli %get3A_226, %mul3A_243 : vector<16xi32>
    %mul3A_245 = arith.constant 31 : i32
    %mul3A_246 = vector.broadcast %mul3A_245 : i32 to vector<16xi32>
    %mul3A_247 = arith.muli %get3A_231, %mul3A_246 : vector<16xi32>
    %add3A_248 = arith.addi %mul3A_244, %mul3A_247 : vector<16xi32>
    %add3A_249 = arith.addi %add3A_248, %select_n3A_241 : vector<16xi32>
    %swap3A_250 = arith.constant 112 : index
    %swap3A_251 = tpu.vector_load %arg6[%swap3A_250] {strides = array<i32>} : memref<512xi32, #tpu.memory_space<vmem>>, vector<16xi32>,
    %swap3A_252 = vector.shape_cast %swap3A_251 : vector<16xi32> to vector<16xi32>
    %swap3A_253 = vector.shape_cast %add3A_249 : vector<16xi32> to vector<16xi32>
    tpu.vector_store %arg6[%swap3A_250], %swap3A_253 {strides = array<i32>} : memref<512xi32, #tpu.memory_space<vmem>>, vector<16xi32>,
    %get3A_254 = arith.constant 0 : i32
    %get3A_255 = arith.index_cast %get3A_254 : i32 to index
    %get3A_256 = arith.constant 128 : index
    %get3A_257 = tpu.vector_load %arg5[%get3A_255, %get3A_256] {strides = array<i32>} : memref<3x512xi32, #tpu.memory_space<vmem>>, vector<1x16xi32>,
    %get3A_258 = vector.shape_cast %get3A_257 : vector<1x16xi32> to vector<16xi32>
    %get3A_259 = arith.constant 1 : i32
    %get3A_260 = arith.index_cast %get3A_259 : i32 to index
    %get3A_261 = arith.constant 128 : index
    %get3A_262 = tpu.vector_load %arg5[%get3A_260, %get3A_261] {strides = array<i32>} : memref<3x512xi32, #tpu.memory_space<vmem>>, vector<1x16xi32>,
    %get3A_263 = vector.shape_cast %get3A_262 : vector<1x16xi32> to vector<16xi32>
    %get3A_264 = arith.constant 2 : i32
    %get3A_265 = arith.index_cast %get3A_264 : i32 to index
    %get3A_266 = arith.constant 128 : index
    %get3A_267 = tpu.vector_load %arg5[%get3A_265, %get3A_266] {strides = array<i32>} : memref<3x512xi32, #tpu.memory_space<vmem>>, vector<1x16xi32>,
    %get3A_268 = vector.shape_cast %get3A_267 : vector<1x16xi32> to vector<16xi32>
    %gt3A_269 = arith.cmpi sgt, %get3A_268, %get3A_263 : vector<16xi32>
    %sub3A_270 = arith.constant 1 : i32
    %sub3A_271 = vector.broadcast %sub3A_270 : i32 to vector<16xi32>
    %sub3A_272 = arith.subi %get3A_268, %sub3A_271 : vector<16xi32>
    %select_n3A_273 = arith.select %gt3A_269, %sub3A_272, %get3A_268 : vector<16xi1>, vector<16xi32>
    %mul3A_274 = arith.constant 992 : i32
    %mul3A_275 = vector.broadcast %mul3A_274 : i32 to vector<16xi32>
    %mul3A_276 = arith.muli %get3A_258, %mul3A_275 : vector<16xi32>
    %mul3A_277 = arith.constant 31 : i32
    %mul3A_278 = vector.broadcast %mul3A_277 : i32 to vector<16xi32>
    %mul3A_279 = arith.muli %get3A_263, %mul3A_278 : vector<16xi32>
    %add3A_280 = arith.addi %mul3A_276, %mul3A_279 : vector<16xi32>
    %add3A_281 = arith.addi %add3A_280, %select_n3A_273 : vector<16xi32>
    %swap3A_282 = arith.constant 128 : index
    %swap3A_283 = tpu.vector_load %arg6[%swap3A_282] {strides = array<i32>} : memref<512xi32, #tpu.memory_space<vmem>>, vector<16xi32>,
    %swap3A_284 = vector.shape_cast %swap3A_283 : vector<16xi32> to vector<16xi32>
    %swap3A_285 = vector.shape_cast %add3A_281 : vector<16xi32> to vector<16xi32>
    tpu.vector_store %arg6[%swap3A_282], %swap3A_285 {strides = array<i32>} : memref<512xi32, #tpu.memory_space<vmem>>, vector<16xi32>,
    %get3A_286 = arith.constant 0 : i32
    %get3A_287 = arith.index_cast %get3A_286 : i32 to index
    %get3A_288 = arith.constant 144 : index
    %get3A_289 = tpu.vector_load %arg5[%get3A_287, %get3A_288] {strides = array<i32>} : memref<3x512xi32, #tpu.memory_space<vmem>>, vector<1x16xi32>,
    %get3A_290 = vector.shape_cast %get3A_289 : vector<1x16xi32> to vector<16xi32>
    %get3A_291 = arith.constant 1 : i32
    %get3A_292 = arith.index_cast %get3A_291 : i32 to index
    %get3A_293 = arith.constant 144 : index
    %get3A_294 = tpu.vector_load %arg5[%get3A_292, %get3A_293] {strides = array<i32>} : memref<3x512xi32, #tpu.memory_space<vmem>>, vector<1x16xi32>,
    %get3A_295 = vector.shape_cast %get3A_294 : vector<1x16xi32> to vector<16xi32>
    %get3A_296 = arith.constant 2 : i32
    %get3A_297 = arith.index_cast %get3A_296 : i32 to index
    %get3A_298 = arith.constant 144 : index
    %get3A_299 = tpu.vector_load %arg5[%get3A_297, %get3A_298] {strides = array<i32>} : memref<3x512xi32, #tpu.memory_space<vmem>>, vector<1x16xi32>,
    %get3A_300 = vector.shape_cast %get3A_299 : vector<1x16xi32> to vector<16xi32>
    %gt3A_301 = arith.cmpi sgt, %get3A_300, %get3A_295 : vector<16xi32>
    %sub3A_302 = arith.constant 1 : i32
    %sub3A_303 = vector.broadcast %sub3A_302 : i32 to vector<16xi32>
    %sub3A_304 = arith.subi %get3A_300, %sub3A_303 : vector<16xi32>
    %select_n3A_305 = arith.select %gt3A_301, %sub3A_304, %get3A_300 : vector<16xi1>, vector<16xi32>
    %mul3A_306 = arith.constant 992 : i32
    %mul3A_307 = vector.broadcast %mul3A_306 : i32 to vector<16xi32>
    %mul3A_308 = arith.muli %get3A_290, %mul3A_307 : vector<16xi32>
    %mul3A_309 = arith.constant 31 : i32
    %mul3A_310 = vector.broadcast %mul3A_309 : i32 to vector<16xi32>
    %mul3A_311 = arith.muli %get3A_295, %mul3A_310 : vector<16xi32>
    %add3A_312 = arith.addi %mul3A_308, %mul3A_311 : vector<16xi32>
    %add3A_313 = arith.addi %add3A_312, %select_n3A_305 : vector<16xi32>
    %swap3A_314 = arith.constant 144 : index
    %swap3A_315 = tpu.vector_load %arg6[%swap3A_314] {strides = array<i32>} : memref<512xi32, #tpu.memory_space<vmem>>, vector<16xi32>,
    %swap3A_316 = vector.shape_cast %swap3A_315 : vector<16xi32> to vector<16xi32>
    %swap3A_317 = vector.shape_cast %add3A_313 : vector<16xi32> to vector<16xi32>
    tpu.vector_store %arg6[%swap3A_314], %swap3A_317 {strides = array<i32>} : memref<512xi32, #tpu.memory_space<vmem>>, vector<16xi32>,
    %get3A_318 = arith.constant 0 : i32
    %get3A_319 = arith.index_cast %get3A_318 : i32 to index
    %get3A_320 = arith.constant 160 : index
    %get3A_321 = tpu.vector_load %arg5[%get3A_319, %get3A_320] {strides = array<i32>} : memref<3x512xi32, #tpu.memory_space<vmem>>, vector<1x16xi32>,
    %get3A_322 = vector.shape_cast %get3A_321 : vector<1x16xi32> to vector<16xi32>
    %get3A_323 = arith.constant 1 : i32
    %get3A_324 = arith.index_cast %get3A_323 : i32 to index
    %get3A_325 = arith.constant 160 : index
    %get3A_326 = tpu.vector_load %arg5[%get3A_324, %get3A_325] {strides = array<i32>} : memref<3x512xi32, #tpu.memory_space<vmem>>, vector<1x16xi32>,
    %get3A_327 = vector.shape_cast %get3A_326 : vector<1x16xi32> to vector<16xi32>
    %get3A_328 = arith.constant 2 : i32
    %get3A_329 = arith.index_cast %get3A_328 : i32 to index
    %get3A_330 = arith.constant 160 : index
    %get3A_331 = tpu.vector_load %arg5[%get3A_329, %get3A_330] {strides = array<i32>} : memref<3x512xi32, #tpu.memory_space<vmem>>, vector<1x16xi32>,
    %get3A_332 = vector.shape_cast %get3A_331 : vector<1x16xi32> to vector<16xi32>
    %gt3A_333 = arith.cmpi sgt, %get3A_332, %get3A_327 : vector<16xi32>
    %sub3A_334 = arith.constant 1 : i32
    %sub3A_335 = vector.broadcast %sub3A_334 : i32 to vector<16xi32>
    %sub3A_336 = arith.subi %get3A_332, %sub3A_335 : vector<16xi32>
    %select_n3A_337 = arith.select %gt3A_333, %sub3A_336, %get3A_332 : vector<16xi1>, vector<16xi32>
    %mul3A_338 = arith.constant 992 : i32
    %mul3A_339 = vector.broadcast %mul3A_338 : i32 to vector<16xi32>
    %mul3A_340 = arith.muli %get3A_322, %mul3A_339 : vector<16xi32>
    %mul3A_341 = arith.constant 31 : i32
    %mul3A_342 = vector.broadcast %mul3A_341 : i32 to vector<16xi32>
    %mul3A_343 = arith.muli %get3A_327, %mul3A_342 : vector<16xi32>
    %add3A_344 = arith.addi %mul3A_340, %mul3A_343 : vector<16xi32>
    %add3A_345 = arith.addi %add3A_344, %select_n3A_337 : vector<16xi32>
    %swap3A_346 = arith.constant 160 : index
    %swap3A_347 = tpu.vector_load %arg6[%swap3A_346] {strides = array<i32>} : memref<512xi32, #tpu.memory_space<vmem>>, vector<16xi32>,
    %swap3A_348 = vector.shape_cast %swap3A_347 : vector<16xi32> to vector<16xi32>
    %swap3A_349 = vector.shape_cast %add3A_345 : vector<16xi32> to vector<16xi32>
    tpu.vector_store %arg6[%swap3A_346], %swap3A_349 {strides = array<i32>} : memref<512xi32, #tpu.memory_space<vmem>>, vector<16xi32>,
    %get3A_350 = arith.constant 0 : i32
    %get3A_351 = arith.index_cast %get3A_350 : i32 to index
    %get3A_352 = arith.constant 176 : index
    %get3A_353 = tpu.vector_load %arg5[%get3A_351, %get3A_352] {strides = array<i32>} : memref<3x512xi32, #tpu.memory_space<vmem>>, vector<1x16xi32>,
    %get3A_354 = vector.shape_cast %get3A_353 : vector<1x16xi32> to vector<16xi32>
    %get3A_355 = arith.constant 1 : i32
    %get3A_356 = arith.index_cast %get3A_355 : i32 to index
    %get3A_357 = arith.constant 176 : index
    %get3A_358 = tpu.vector_load %arg5[%get3A_356, %get3A_357] {strides = array<i32>} : memref<3x512xi32, #tpu.memory_space<vmem>>, vector<1x16xi32>,
    %get3A_359 = vector.shape_cast %get3A_358 : vector<1x16xi32> to vector<16xi32>
    %get3A_360 = arith.constant 2 : i32
    %get3A_361 = arith.index_cast %get3A_360 : i32 to index
    %get3A_362 = arith.constant 176 : index
    %get3A_363 = tpu.vector_load %arg5[%get3A_361, %get3A_362] {strides = array<i32>} : memref<3x512xi32, #tpu.memory_space<vmem>>, vector<1x16xi32>,
    %get3A_364 = vector.shape_cast %get3A_363 : vector<1x16xi32> to vector<16xi32>
    %gt3A_365 = arith.cmpi sgt, %get3A_364, %get3A_359 : vector<16xi32>
    %sub3A_366 = arith.constant 1 : i32
    %sub3A_367 = vector.broadcast %sub3A_366 : i32 to vector<16xi32>
    %sub3A_368 = arith.subi %get3A_364, %sub3A_367 : vector<16xi32>
    %select_n3A_369 = arith.select %gt3A_365, %sub3A_368, %get3A_364 : vector<16xi1>, vector<16xi32>
    %mul3A_370 = arith.constant 992 : i32
    %mul3A_371 = vector.broadcast %mul3A_370 : i32 to vector<16xi32>
    %mul3A_372 = arith.muli %get3A_354, %mul3A_371 : vector<16xi32>
    %mul3A_373 = arith.constant 31 : i32
    %mul3A_374 = vector.broadcast %mul3A_373 : i32 to vector<16xi32>
    %mul3A_375 = arith.muli %get3A_359, %mul3A_374 : vector<16xi32>
    %add3A_376 = arith.addi %mul3A_372, %mul3A_375 : vector<16xi32>
    %add3A_377 = arith.addi %add3A_376, %select_n3A_369 : vector<16xi32>
    %swap3A_378 = arith.constant 176 : index
    %swap3A_379 = tpu.vector_load %arg6[%swap3A_378] {strides = array<i32>} : memref<512xi32, #tpu.memory_space<vmem>>, vector<16xi32>,
    %swap3A_380 = vector.shape_cast %swap3A_379 : vector<16xi32> to vector<16xi32>
    %swap3A_381 = vector.shape_cast %add3A_377 : vector<16xi32> to vector<16xi32>
    tpu.vector_store %arg6[%swap3A_378], %swap3A_381 {strides = array<i32>} : memref<512xi32, #tpu.memory_space<vmem>>, vector<16xi32>,
    %get3A_382 = arith.constant 0 : i32
    %get3A_383 = arith.index_cast %get3A_382 : i32 to index
    %get3A_384 = arith.constant 192 : index
    %get3A_385 = tpu.vector_load %arg5[%get3A_383, %get3A_384] {strides = array<i32>} : memref<3x512xi32, #tpu.memory_space<vmem>>, vector<1x16xi32>,
    %get3A_386 = vector.shape_cast %get3A_385 : vector<1x16xi32> to vector<16xi32>
    %get3A_387 = arith.constant 1 : i32
    %get3A_388 = arith.index_cast %get3A_387 : i32 to index
    %get3A_389 = arith.constant 192 : index
    %get3A_390 = tpu.vector_load %arg5[%get3A_388, %get3A_389] {strides = array<i32>} : memref<3x512xi32, #tpu.memory_space<vmem>>, vector<1x16xi32>,
    %get3A_391 = vector.shape_cast %get3A_390 : vector<1x16xi32> to vector<16xi32>
    %get3A_392 = arith.constant 2 : i32
    %get3A_393 = arith.index_cast %get3A_392 : i32 to index
    %get3A_394 = arith.constant 192 : index
    %get3A_395 = tpu.vector_load %arg5[%get3A_393, %get3A_394] {strides = array<i32>} : memref<3x512xi32, #tpu.memory_space<vmem>>, vector<1x16xi32>,
    %get3A_396 = vector.shape_cast %get3A_395 : vector<1x16xi32> to vector<16xi32>
    %gt3A_397 = arith.cmpi sgt, %get3A_396, %get3A_391 : vector<16xi32>
    %sub3A_398 = arith.constant 1 : i32
    %sub3A_399 = vector.broadcast %sub3A_398 : i32 to vector<16xi32>
    %sub3A_400 = arith.subi %get3A_396, %sub3A_399 : vector<16xi32>
    %select_n3A_401 = arith.select %gt3A_397, %sub3A_400, %get3A_396 : vector<16xi1>, vector<16xi32>
    %mul3A_402 = arith.constant 992 : i32
    %mul3A_403 = vector.broadcast %mul3A_402 : i32 to vector<16xi32>
    %mul3A_404 = arith.muli %get3A_386, %mul3A_403 : vector<16xi32>
    %mul3A_405 = arith.constant 31 : i32
    %mul3A_406 = vector.broadcast %mul3A_405 : i32 to vector<16xi32>
    %mul3A_407 = arith.muli %get3A_391, %mul3A_406 : vector<16xi32>
    %add3A_408 = arith.addi %mul3A_404, %mul3A_407 : vector<16xi32>
    %add3A_409 = arith.addi %add3A_408, %select_n3A_401 : vector<16xi32>
    %swap3A_410 = arith.constant 192 : index
    %swap3A_411 = tpu.vector_load %arg6[%swap3A_410] {strides = array<i32>} : memref<512xi32, #tpu.memory_space<vmem>>, vector<16xi32>,
    %swap3A_412 = vector.shape_cast %swap3A_411 : vector<16xi32> to vector<16xi32>
    %swap3A_413 = vector.shape_cast %add3A_409 : vector<16xi32> to vector<16xi32>
    tpu.vector_store %arg6[%swap3A_410], %swap3A_413 {strides = array<i32>} : memref<512xi32, #tpu.memory_space<vmem>>, vector<16xi32>,
    %get3A_414 = arith.constant 0 : i32
    %get3A_415 = arith.index_cast %get3A_414 : i32 to index
    %get3A_416 = arith.constant 208 : index
    %get3A_417 = tpu.vector_load %arg5[%get3A_415, %get3A_416] {strides = array<i32>} : memref<3x512xi32, #tpu.memory_space<vmem>>, vector<1x16xi32>,
    %get3A_418 = vector.shape_cast %get3A_417 : vector<1x16xi32> to vector<16xi32>
    %get3A_419 = arith.constant 1 : i32
    %get3A_420 = arith.index_cast %get3A_419 : i32 to index
    %get3A_421 = arith.constant 208 : index
    %get3A_422 = tpu.vector_load %arg5[%get3A_420, %get3A_421] {strides = array<i32>} : memref<3x512xi32, #tpu.memory_space<vmem>>, vector<1x16xi32>,
    %get3A_423 = vector.shape_cast %get3A_422 : vector<1x16xi32> to vector<16xi32>
    %get3A_424 = arith.constant 2 : i32
    %get3A_425 = arith.index_cast %get3A_424 : i32 to index
    %get3A_426 = arith.constant 208 : index
    %get3A_427 = tpu.vector_load %arg5[%get3A_425, %get3A_426] {strides = array<i32>} : memref<3x512xi32, #tpu.memory_space<vmem>>, vector<1x16xi32>,
    %get3A_428 = vector.shape_cast %get3A_427 : vector<1x16xi32> to vector<16xi32>
    %gt3A_429 = arith.cmpi sgt, %get3A_428, %get3A_423 : vector<16xi32>
    %sub3A_430 = arith.constant 1 : i32
    %sub3A_431 = vector.broadcast %sub3A_430 : i32 to vector<16xi32>
    %sub3A_432 = arith.subi %get3A_428, %sub3A_431 : vector<16xi32>
    %select_n3A_433 = arith.select %gt3A_429, %sub3A_432, %get3A_428 : vector<16xi1>, vector<16xi32>
    %mul3A_434 = arith.constant 992 : i32
    %mul3A_435 = vector.broadcast %mul3A_434 : i32 to vector<16xi32>
    %mul3A_436 = arith.muli %get3A_418, %mul3A_435 : vector<16xi32>
    %mul3A_437 = arith.constant 31 : i32
    %mul3A_438 = vector.broadcast %mul3A_437 : i32 to vector<16xi32>
    %mul3A_439 = arith.muli %get3A_423, %mul3A_438 : vector<16xi32>
    %add3A_440 = arith.addi %mul3A_436, %mul3A_439 : vector<16xi32>
    %add3A_441 = arith.addi %add3A_440, %select_n3A_433 : vector<16xi32>
    %swap3A_442 = arith.constant 208 : index
    %swap3A_443 = tpu.vector_load %arg6[%swap3A_442] {strides = array<i32>} : memref<512xi32, #tpu.memory_space<vmem>>, vector<16xi32>,
    %swap3A_444 = vector.shape_cast %swap3A_443 : vector<16xi32> to vector<16xi32>
    %swap3A_445 = vector.shape_cast %add3A_441 : vector<16xi32> to vector<16xi32>
    tpu.vector_store %arg6[%swap3A_442], %swap3A_445 {strides = array<i32>} : memref<512xi32, #tpu.memory_space<vmem>>, vector<16xi32>,
    %get3A_446 = arith.constant 0 : i32
    %get3A_447 = arith.index_cast %get3A_446 : i32 to index
    %get3A_448 = arith.constant 224 : index
    %get3A_449 = tpu.vector_load %arg5[%get3A_447, %get3A_448] {strides = array<i32>} : memref<3x512xi32, #tpu.memory_space<vmem>>, vector<1x16xi32>,
    %get3A_450 = vector.shape_cast %get3A_449 : vector<1x16xi32> to vector<16xi32>
    %get3A_451 = arith.constant 1 : i32
    %get3A_452 = arith.index_cast %get3A_451 : i32 to index
    %get3A_453 = arith.constant 224 : index
    %get3A_454 = tpu.vector_load %arg5[%get3A_452, %get3A_453] {strides = array<i32>} : memref<3x512xi32, #tpu.memory_space<vmem>>, vector<1x16xi32>,
    %get3A_455 = vector.shape_cast %get3A_454 : vector<1x16xi32> to vector<16xi32>
    %get3A_456 = arith.constant 2 : i32
    %get3A_457 = arith.index_cast %get3A_456 : i32 to index
    %get3A_458 = arith.constant 224 : index
    %get3A_459 = tpu.vector_load %arg5[%get3A_457, %get3A_458] {strides = array<i32>} : memref<3x512xi32, #tpu.memory_space<vmem>>, vector<1x16xi32>,
    %get3A_460 = vector.shape_cast %get3A_459 : vector<1x16xi32> to vector<16xi32>
    %gt3A_461 = arith.cmpi sgt, %get3A_460, %get3A_455 : vector<16xi32>
    %sub3A_462 = arith.constant 1 : i32
    %sub3A_463 = vector.broadcast %sub3A_462 : i32 to vector<16xi32>
    %sub3A_464 = arith.subi %get3A_460, %sub3A_463 : vector<16xi32>
    %select_n3A_465 = arith.select %gt3A_461, %sub3A_464, %get3A_460 : vector<16xi1>, vector<16xi32>
    %mul3A_466 = arith.constant 992 : i32
    %mul3A_467 = vector.broadcast %mul3A_466 : i32 to vector<16xi32>
    %mul3A_468 = arith.muli %get3A_450, %mul3A_467 : vector<16xi32>
    %mul3A_469 = arith.constant 31 : i32
    %mul3A_470 = vector.broadcast %mul3A_469 : i32 to vector<16xi32>
    %mul3A_471 = arith.muli %get3A_455, %mul3A_470 : vector<16xi32>
    %add3A_472 = arith.addi %mul3A_468, %mul3A_471 : vector<16xi32>
    %add3A_473 = arith.addi %add3A_472, %select_n3A_465 : vector<16xi32>
    %swap3A_474 = arith.constant 224 : index
    %swap3A_475 = tpu.vector_load %arg6[%swap3A_474] {strides = array<i32>} : memref<512xi32, #tpu.memory_space<vmem>>, vector<16xi32>,
    %swap3A_476 = vector.shape_cast %swap3A_475 : vector<16xi32> to vector<16xi32>
    %swap3A_477 = vector.shape_cast %add3A_473 : vector<16xi32> to vector<16xi32>
    tpu.vector_store %arg6[%swap3A_474], %swap3A_477 {strides = array<i32>} : memref<512xi32, #tpu.memory_space<vmem>>, vector<16xi32>,
    %get3A_478 = arith.constant 0 : i32
    %get3A_479 = arith.index_cast %get3A_478 : i32 to index
    %get3A_480 = arith.constant 240 : index
    %get3A_481 = tpu.vector_load %arg5[%get3A_479, %get3A_480] {strides = array<i32>} : memref<3x512xi32, #tpu.memory_space<vmem>>, vector<1x16xi32>,
    %get3A_482 = vector.shape_cast %get3A_481 : vector<1x16xi32> to vector<16xi32>
    %get3A_483 = arith.constant 1 : i32
    %get3A_484 = arith.index_cast %get3A_483 : i32 to index
    %get3A_485 = arith.constant 240 : index
    %get3A_486 = tpu.vector_load %arg5[%get3A_484, %get3A_485] {strides = array<i32>} : memref<3x512xi32, #tpu.memory_space<vmem>>, vector<1x16xi32>,
    %get3A_487 = vector.shape_cast %get3A_486 : vector<1x16xi32> to vector<16xi32>
    %get3A_488 = arith.constant 2 : i32
    %get3A_489 = arith.index_cast %get3A_488 : i32 to index
    %get3A_490 = arith.constant 240 : index
    %get3A_491 = tpu.vector_load %arg5[%get3A_489, %get3A_490] {strides = array<i32>} : memref<3x512xi32, #tpu.memory_space<vmem>>, vector<1x16xi32>,
    %get3A_492 = vector.shape_cast %get3A_491 : vector<1x16xi32> to vector<16xi32>
    %gt3A_493 = arith.cmpi sgt, %get3A_492, %get3A_487 : vector<16xi32>
    %sub3A_494 = arith.constant 1 : i32
    %sub3A_495 = vector.broadcast %sub3A_494 : i32 to vector<16xi32>
    %sub3A_496 = arith.subi %get3A_492, %sub3A_495 : vector<16xi32>
    %select_n3A_497 = arith.select %gt3A_493, %sub3A_496, %get3A_492 : vector<16xi1>, vector<16xi32>
    %mul3A_498 = arith.constant 992 : i32
    %mul3A_499 = vector.broadcast %mul3A_498 : i32 to vector<16xi32>
    %mul3A_500 = arith.muli %get3A_482, %mul3A_499 : vector<16xi32>
    %mul3A_501 = arith.constant 31 : i32
    %mul3A_502 = vector.broadcast %mul3A_501 : i32 to vector<16xi32>
    %mul3A_503 = arith.muli %get3A_487, %mul3A_502 : vector<16xi32>
    %add3A_504 = arith.addi %mul3A_500, %mul3A_503 : vector<16xi32>
    %add3A_505 = arith.addi %add3A_504, %select_n3A_497 : vector<16xi32>
    %swap3A_506 = arith.constant 240 : index
    %swap3A_507 = tpu.vector_load %arg6[%swap3A_506] {strides = array<i32>} : memref<512xi32, #tpu.memory_space<vmem>>, vector<16xi32>,
    %swap3A_508 = vector.shape_cast %swap3A_507 : vector<16xi32> to vector<16xi32>
    %swap3A_509 = vector.shape_cast %add3A_505 : vector<16xi32> to vector<16xi32>
    tpu.vector_store %arg6[%swap3A_506], %swap3A_509 {strides = array<i32>} : memref<512xi32, #tpu.memory_space<vmem>>, vector<16xi32>,
    %get3A_510 = arith.constant 0 : i32
    %get3A_511 = arith.index_cast %get3A_510 : i32 to index
    %get3A_512 = arith.constant 256 : index
    %get3A_513 = tpu.vector_load %arg5[%get3A_511, %get3A_512] {strides = array<i32>} : memref<3x512xi32, #tpu.memory_space<vmem>>, vector<1x16xi32>,
    %get3A_514 = vector.shape_cast %get3A_513 : vector<1x16xi32> to vector<16xi32>
    %get3A_515 = arith.constant 1 : i32
    %get3A_516 = arith.index_cast %get3A_515 : i32 to index
    %get3A_517 = arith.constant 256 : index
    %get3A_518 = tpu.vector_load %arg5[%get3A_516, %get3A_517] {strides = array<i32>} : memref<3x512xi32, #tpu.memory_space<vmem>>, vector<1x16xi32>,
    %get3A_519 = vector.shape_cast %get3A_518 : vector<1x16xi32> to vector<16xi32>
    %get3A_520 = arith.constant 2 : i32
    %get3A_521 = arith.index_cast %get3A_520 : i32 to index
    %get3A_522 = arith.constant 256 : index
    %get3A_523 = tpu.vector_load %arg5[%get3A_521, %get3A_522] {strides = array<i32>} : memref<3x512xi32, #tpu.memory_space<vmem>>, vector<1x16xi32>,
    %get3A_524 = vector.shape_cast %get3A_523 : vector<1x16xi32> to vector<16xi32>
    %gt3A_525 = arith.cmpi sgt, %get3A_524, %get3A_519 : vector<16xi32>
    %sub3A_526 = arith.constant 1 : i32
    %sub3A_527 = vector.broadcast %sub3A_526 : i32 to vector<16xi32>
    %sub3A_528 = arith.subi %get3A_524, %sub3A_527 : vector<16xi32>
    %select_n3A_529 = arith.select %gt3A_525, %sub3A_528, %get3A_524 : vector<16xi1>, vector<16xi32>
    %mul3A_530 = arith.constant 992 : i32
    %mul3A_531 = vector.broadcast %mul3A_530 : i32 to vector<16xi32>
    %mul3A_532 = arith.muli %get3A_514, %mul3A_531 : vector<16xi32>
    %mul3A_533 = arith.constant 31 : i32
    %mul3A_534 = vector.broadcast %mul3A_533 : i32 to vector<16xi32>
    %mul3A_535 = arith.muli %get3A_519, %mul3A_534 : vector<16xi32>
    %add3A_536 = arith.addi %mul3A_532, %mul3A_535 : vector<16xi32>
    %add3A_537 = arith.addi %add3A_536, %select_n3A_529 : vector<16xi32>
    %swap3A_538 = arith.constant 256 : index
    %swap3A_539 = tpu.vector_load %arg6[%swap3A_538] {strides = array<i32>} : memref<512xi32, #tpu.memory_space<vmem>>, vector<16xi32>,
    %swap3A_540 = vector.shape_cast %swap3A_539 : vector<16xi32> to vector<16xi32>
    %swap3A_541 = vector.shape_cast %add3A_537 : vector<16xi32> to vector<16xi32>
    tpu.vector_store %arg6[%swap3A_538], %swap3A_541 {strides = array<i32>} : memref<512xi32, #tpu.memory_space<vmem>>, vector<16xi32>,
    %get3A_542 = arith.constant 0 : i32
    %get3A_543 = arith.index_cast %get3A_542 : i32 to index
    %get3A_544 = arith.constant 272 : index
    %get3A_545 = tpu.vector_load %arg5[%get3A_543, %get3A_544] {strides = array<i32>} : memref<3x512xi32, #tpu.memory_space<vmem>>, vector<1x16xi32>,
    %get3A_546 = vector.shape_cast %get3A_545 : vector<1x16xi32> to vector<16xi32>
    %get3A_547 = arith.constant 1 : i32
    %get3A_548 = arith.index_cast %get3A_547 : i32 to index
    %get3A_549 = arith.constant 272 : index
    %get3A_550 = tpu.vector_load %arg5[%get3A_548, %get3A_549] {strides = array<i32>} : memref<3x512xi32, #tpu.memory_space<vmem>>, vector<1x16xi32>,
    %get3A_551 = vector.shape_cast %get3A_550 : vector<1x16xi32> to vector<16xi32>
    %get3A_552 = arith.constant 2 : i32
    %get3A_553 = arith.index_cast %get3A_552 : i32 to index
    %get3A_554 = arith.constant 272 : index
    %get3A_555 = tpu.vector_load %arg5[%get3A_553, %get3A_554] {strides = array<i32>} : memref<3x512xi32, #tpu.memory_space<vmem>>, vector<1x16xi32>,
    %get3A_556 = vector.shape_cast %get3A_555 : vector<1x16xi32> to vector<16xi32>
    %gt3A_557 = arith.cmpi sgt, %get3A_556, %get3A_551 : vector<16xi32>
    %sub3A_558 = arith.constant 1 : i32
    %sub3A_559 = vector.broadcast %sub3A_558 : i32 to vector<16xi32>
    %sub3A_560 = arith.subi %get3A_556, %sub3A_559 : vector<16xi32>
    %select_n3A_561 = arith.select %gt3A_557, %sub3A_560, %get3A_556 : vector<16xi1>, vector<16xi32>
    %mul3A_562 = arith.constant 992 : i32
    %mul3A_563 = vector.broadcast %mul3A_562 : i32 to vector<16xi32>
    %mul3A_564 = arith.muli %get3A_546, %mul3A_563 : vector<16xi32>
    %mul3A_565 = arith.constant 31 : i32
    %mul3A_566 = vector.broadcast %mul3A_565 : i32 to vector<16xi32>
    %mul3A_567 = arith.muli %get3A_551, %mul3A_566 : vector<16xi32>
    %add3A_568 = arith.addi %mul3A_564, %mul3A_567 : vector<16xi32>
    %add3A_569 = arith.addi %add3A_568, %select_n3A_561 : vector<16xi32>
    %swap3A_570 = arith.constant 272 : index
    %swap3A_571 = tpu.vector_load %arg6[%swap3A_570] {strides = array<i32>} : memref<512xi32, #tpu.memory_space<vmem>>, vector<16xi32>,
    %swap3A_572 = vector.shape_cast %swap3A_571 : vector<16xi32> to vector<16xi32>
    %swap3A_573 = vector.shape_cast %add3A_569 : vector<16xi32> to vector<16xi32>
    tpu.vector_store %arg6[%swap3A_570], %swap3A_573 {strides = array<i32>} : memref<512xi32, #tpu.memory_space<vmem>>, vector<16xi32>,
    %get3A_574 = arith.constant 0 : i32
    %get3A_575 = arith.index_cast %get3A_574 : i32 to index
    %get3A_576 = arith.constant 288 : index
    %get3A_577 = tpu.vector_load %arg5[%get3A_575, %get3A_576] {strides = array<i32>} : memref<3x512xi32, #tpu.memory_space<vmem>>, vector<1x16xi32>,
    %get3A_578 = vector.shape_cast %get3A_577 : vector<1x16xi32> to vector<16xi32>
    %get3A_579 = arith.constant 1 : i32
    %get3A_580 = arith.index_cast %get3A_579 : i32 to index
    %get3A_581 = arith.constant 288 : index
    %get3A_582 = tpu.vector_load %arg5[%get3A_580, %get3A_581] {strides = array<i32>} : memref<3x512xi32, #tpu.memory_space<vmem>>, vector<1x16xi32>,
    %get3A_583 = vector.shape_cast %get3A_582 : vector<1x16xi32> to vector<16xi32>
    %get3A_584 = arith.constant 2 : i32
    %get3A_585 = arith.index_cast %get3A_584 : i32 to index
    %get3A_586 = arith.constant 288 : index
    %get3A_587 = tpu.vector_load %arg5[%get3A_585, %get3A_586] {strides = array<i32>} : memref<3x512xi32, #tpu.memory_space<vmem>>, vector<1x16xi32>,
    %get3A_588 = vector.shape_cast %get3A_587 : vector<1x16xi32> to vector<16xi32>
    %gt3A_589 = arith.cmpi sgt, %get3A_588, %get3A_583 : vector<16xi32>
    %sub3A_590 = arith.constant 1 : i32
    %sub3A_591 = vector.broadcast %sub3A_590 : i32 to vector<16xi32>
    %sub3A_592 = arith.subi %get3A_588, %sub3A_591 : vector<16xi32>
    %select_n3A_593 = arith.select %gt3A_589, %sub3A_592, %get3A_588 : vector<16xi1>, vector<16xi32>
    %mul3A_594 = arith.constant 992 : i32
    %mul3A_595 = vector.broadcast %mul3A_594 : i32 to vector<16xi32>
    %mul3A_596 = arith.muli %get3A_578, %mul3A_595 : vector<16xi32>
    %mul3A_597 = arith.constant 31 : i32
    %mul3A_598 = vector.broadcast %mul3A_597 : i32 to vector<16xi32>
    %mul3A_599 = arith.muli %get3A_583, %mul3A_598 : vector<16xi32>
    %add3A_600 = arith.addi %mul3A_596, %mul3A_599 : vector<16xi32>
    %add3A_601 = arith.addi %add3A_600, %select_n3A_593 : vector<16xi32>
    %swap3A_602 = arith.constant 288 : index
    %swap3A_603 = tpu.vector_load %arg6[%swap3A_602] {strides = array<i32>} : memref<512xi32, #tpu.memory_space<vmem>>, vector<16xi32>,
    %swap3A_604 = vector.shape_cast %swap3A_603 : vector<16xi32> to vector<16xi32>
    %swap3A_605 = vector.shape_cast %add3A_601 : vector<16xi32> to vector<16xi32>
    tpu.vector_store %arg6[%swap3A_602], %swap3A_605 {strides = array<i32>} : memref<512xi32, #tpu.memory_space<vmem>>, vector<16xi32>,
    %get3A_606 = arith.constant 0 : i32
    %get3A_607 = arith.index_cast %get3A_606 : i32 to index
    %get3A_608 = arith.constant 304 : index
    %get3A_609 = tpu.vector_load %arg5[%get3A_607, %get3A_608] {strides = array<i32>} : memref<3x512xi32, #tpu.memory_space<vmem>>, vector<1x16xi32>,
    %get3A_610 = vector.shape_cast %get3A_609 : vector<1x16xi32> to vector<16xi32>
    %get3A_611 = arith.constant 1 : i32
    %get3A_612 = arith.index_cast %get3A_611 : i32 to index
    %get3A_613 = arith.constant 304 : index
    %get3A_614 = tpu.vector_load %arg5[%get3A_612, %get3A_613] {strides = array<i32>} : memref<3x512xi32, #tpu.memory_space<vmem>>, vector<1x16xi32>,
    %get3A_615 = vector.shape_cast %get3A_614 : vector<1x16xi32> to vector<16xi32>
    %get3A_616 = arith.constant 2 : i32
    %get3A_617 = arith.index_cast %get3A_616 : i32 to index
    %get3A_618 = arith.constant 304 : index
    %get3A_619 = tpu.vector_load %arg5[%get3A_617, %get3A_618] {strides = array<i32>} : memref<3x512xi32, #tpu.memory_space<vmem>>, vector<1x16xi32>,
    %get3A_620 = vector.shape_cast %get3A_619 : vector<1x16xi32> to vector<16xi32>
    %gt3A_621 = arith.cmpi sgt, %get3A_620, %get3A_615 : vector<16xi32>
    %sub3A_622 = arith.constant 1 : i32
    %sub3A_623 = vector.broadcast %sub3A_622 : i32 to vector<16xi32>
    %sub3A_624 = arith.subi %get3A_620, %sub3A_623 : vector<16xi32>
    %select_n3A_625 = arith.select %gt3A_621, %sub3A_624, %get3A_620 : vector<16xi1>, vector<16xi32>
    %mul3A_626 = arith.constant 992 : i32
    %mul3A_627 = vector.broadcast %mul3A_626 : i32 to vector<16xi32>
    %mul3A_628 = arith.muli %get3A_610, %mul3A_627 : vector<16xi32>
    %mul3A_629 = arith.constant 31 : i32
    %mul3A_630 = vector.broadcast %mul3A_629 : i32 to vector<16xi32>
    %mul3A_631 = arith.muli %get3A_615, %mul3A_630 : vector<16xi32>
    %add3A_632 = arith.addi %mul3A_628, %mul3A_631 : vector<16xi32>
    %add3A_633 = arith.addi %add3A_632, %select_n3A_625 : vector<16xi32>
    %swap3A_634 = arith.constant 304 : index
    %swap3A_635 = tpu.vector_load %arg6[%swap3A_634] {strides = array<i32>} : memref<512xi32, #tpu.memory_space<vmem>>, vector<16xi32>,
    %swap3A_636 = vector.shape_cast %swap3A_635 : vector<16xi32> to vector<16xi32>
    %swap3A_637 = vector.shape_cast %add3A_633 : vector<16xi32> to vector<16xi32>
    tpu.vector_store %arg6[%swap3A_634], %swap3A_637 {strides = array<i32>} : memref<512xi32, #tpu.memory_space<vmem>>, vector<16xi32>,
    %get3A_638 = arith.constant 0 : i32
    %get3A_639 = arith.index_cast %get3A_638 : i32 to index
    %get3A_640 = arith.constant 320 : index
    %get3A_641 = tpu.vector_load %arg5[%get3A_639, %get3A_640] {strides = array<i32>} : memref<3x512xi32, #tpu.memory_space<vmem>>, vector<1x16xi32>,
    %get3A_642 = vector.shape_cast %get3A_641 : vector<1x16xi32> to vector<16xi32>
    %get3A_643 = arith.constant 1 : i32
    %get3A_644 = arith.index_cast %get3A_643 : i32 to index
    %get3A_645 = arith.constant 320 : index
    %get3A_646 = tpu.vector_load %arg5[%get3A_644, %get3A_645] {strides = array<i32>} : memref<3x512xi32, #tpu.memory_space<vmem>>, vector<1x16xi32>,
    %get3A_647 = vector.shape_cast %get3A_646 : vector<1x16xi32> to vector<16xi32>
    %get3A_648 = arith.constant 2 : i32
    %get3A_649 = arith.index_cast %get3A_648 : i32 to index
    %get3A_650 = arith.constant 320 : index
    %get3A_651 = tpu.vector_load %arg5[%get3A_649, %get3A_650] {strides = array<i32>} : memref<3x512xi32, #tpu.memory_space<vmem>>, vector<1x16xi32>,
    %get3A_652 = vector.shape_cast %get3A_651 : vector<1x16xi32> to vector<16xi32>
    %gt3A_653 = arith.cmpi sgt, %get3A_652, %get3A_647 : vector<16xi32>
    %sub3A_654 = arith.constant 1 : i32
    %sub3A_655 = vector.broadcast %sub3A_654 : i32 to vector<16xi32>
    %sub3A_656 = arith.subi %get3A_652, %sub3A_655 : vector<16xi32>
    %select_n3A_657 = arith.select %gt3A_653, %sub3A_656, %get3A_652 : vector<16xi1>, vector<16xi32>
    %mul3A_658 = arith.constant 992 : i32
    %mul3A_659 = vector.broadcast %mul3A_658 : i32 to vector<16xi32>
    %mul3A_660 = arith.muli %get3A_642, %mul3A_659 : vector<16xi32>
    %mul3A_661 = arith.constant 31 : i32
    %mul3A_662 = vector.broadcast %mul3A_661 : i32 to vector<16xi32>
    %mul3A_663 = arith.muli %get3A_647, %mul3A_662 : vector<16xi32>
    %add3A_664 = arith.addi %mul3A_660, %mul3A_663 : vector<16xi32>
    %add3A_665 = arith.addi %add3A_664, %select_n3A_657 : vector<16xi32>
    %swap3A_666 = arith.constant 320 : index
    %swap3A_667 = tpu.vector_load %arg6[%swap3A_666] {strides = array<i32>} : memref<512xi32, #tpu.memory_space<vmem>>, vector<16xi32>,
    %swap3A_668 = vector.shape_cast %swap3A_667 : vector<16xi32> to vector<16xi32>
    %swap3A_669 = vector.shape_cast %add3A_665 : vector<16xi32> to vector<16xi32>
    tpu.vector_store %arg6[%swap3A_666], %swap3A_669 {strides = array<i32>} : memref<512xi32, #tpu.memory_space<vmem>>, vector<16xi32>,
    %get3A_670 = arith.constant 0 : i32
    %get3A_671 = arith.index_cast %get3A_670 : i32 to index
    %get3A_672 = arith.constant 336 : index
    %get3A_673 = tpu.vector_load %arg5[%get3A_671, %get3A_672] {strides = array<i32>} : memref<3x512xi32, #tpu.memory_space<vmem>>, vector<1x16xi32>,
    %get3A_674 = vector.shape_cast %get3A_673 : vector<1x16xi32> to vector<16xi32>
    %get3A_675 = arith.constant 1 : i32
    %get3A_676 = arith.index_cast %get3A_675 : i32 to index
    %get3A_677 = arith.constant 336 : index
    %get3A_678 = tpu.vector_load %arg5[%get3A_676, %get3A_677] {strides = array<i32>} : memref<3x512xi32, #tpu.memory_space<vmem>>, vector<1x16xi32>,
    %get3A_679 = vector.shape_cast %get3A_678 : vector<1x16xi32> to vector<16xi32>
    %get3A_680 = arith.constant 2 : i32
    %get3A_681 = arith.index_cast %get3A_680 : i32 to index
    %get3A_682 = arith.constant 336 : index
    %get3A_683 = tpu.vector_load %arg5[%get3A_681, %get3A_682] {strides = array<i32>} : memref<3x512xi32, #tpu.memory_space<vmem>>, vector<1x16xi32>,
    %get3A_684 = vector.shape_cast %get3A_683 : vector<1x16xi32> to vector<16xi32>
    %gt3A_685 = arith.cmpi sgt, %get3A_684, %get3A_679 : vector<16xi32>
    %sub3A_686 = arith.constant 1 : i32
    %sub3A_687 = vector.broadcast %sub3A_686 : i32 to vector<16xi32>
    %sub3A_688 = arith.subi %get3A_684, %sub3A_687 : vector<16xi32>
    %select_n3A_689 = arith.select %gt3A_685, %sub3A_688, %get3A_684 : vector<16xi1>, vector<16xi32>
    %mul3A_690 = arith.constant 992 : i32
    %mul3A_691 = vector.broadcast %mul3A_690 : i32 to vector<16xi32>
    %mul3A_692 = arith.muli %get3A_674, %mul3A_691 : vector<16xi32>
    %mul3A_693 = arith.constant 31 : i32
    %mul3A_694 = vector.broadcast %mul3A_693 : i32 to vector<16xi32>
    %mul3A_695 = arith.muli %get3A_679, %mul3A_694 : vector<16xi32>
    %add3A_696 = arith.addi %mul3A_692, %mul3A_695 : vector<16xi32>
    %add3A_697 = arith.addi %add3A_696, %select_n3A_689 : vector<16xi32>
    %swap3A_698 = arith.constant 336 : index
    %swap3A_699 = tpu.vector_load %arg6[%swap3A_698] {strides = array<i32>} : memref<512xi32, #tpu.memory_space<vmem>>, vector<16xi32>,
    %swap3A_700 = vector.shape_cast %swap3A_699 : vector<16xi32> to vector<16xi32>
    %swap3A_701 = vector.shape_cast %add3A_697 : vector<16xi32> to vector<16xi32>
    tpu.vector_store %arg6[%swap3A_698], %swap3A_701 {strides = array<i32>} : memref<512xi32, #tpu.memory_space<vmem>>, vector<16xi32>,
    %get3A_702 = arith.constant 0 : i32
    %get3A_703 = arith.index_cast %get3A_702 : i32 to index
    %get3A_704 = arith.constant 352 : index
    %get3A_705 = tpu.vector_load %arg5[%get3A_703, %get3A_704] {strides = array<i32>} : memref<3x512xi32, #tpu.memory_space<vmem>>, vector<1x16xi32>,
    %get3A_706 = vector.shape_cast %get3A_705 : vector<1x16xi32> to vector<16xi32>
    %get3A_707 = arith.constant 1 : i32
    %get3A_708 = arith.index_cast %get3A_707 : i32 to index
    %get3A_709 = arith.constant 352 : index
    %get3A_710 = tpu.vector_load %arg5[%get3A_708, %get3A_709] {strides = array<i32>} : memref<3x512xi32, #tpu.memory_space<vmem>>, vector<1x16xi32>,
    %get3A_711 = vector.shape_cast %get3A_710 : vector<1x16xi32> to vector<16xi32>
    %get3A_712 = arith.constant 2 : i32
    %get3A_713 = arith.index_cast %get3A_712 : i32 to index
    %get3A_714 = arith.constant 352 : index
    %get3A_715 = tpu.vector_load %arg5[%get3A_713, %get3A_714] {strides = array<i32>} : memref<3x512xi32, #tpu.memory_space<vmem>>, vector<1x16xi32>,
    %get3A_716 = vector.shape_cast %get3A_715 : vector<1x16xi32> to vector<16xi32>
    %gt3A_717 = arith.cmpi sgt, %get3A_716, %get3A_711 : vector<16xi32>
    %sub3A_718 = arith.constant 1 : i32
    %sub3A_719 = vector.broadcast %sub3A_718 : i32 to vector<16xi32>
    %sub3A_720 = arith.subi %get3A_716, %sub3A_719 : vector<16xi32>
    %select_n3A_721 = arith.select %gt3A_717, %sub3A_720, %get3A_716 : vector<16xi1>, vector<16xi32>
    %mul3A_722 = arith.constant 992 : i32
    %mul3A_723 = vector.broadcast %mul3A_722 : i32 to vector<16xi32>
    %mul3A_724 = arith.muli %get3A_706, %mul3A_723 : vector<16xi32>
    %mul3A_725 = arith.constant 31 : i32
    %mul3A_726 = vector.broadcast %mul3A_725 : i32 to vector<16xi32>
    %mul3A_727 = arith.muli %get3A_711, %mul3A_726 : vector<16xi32>
    %add3A_728 = arith.addi %mul3A_724, %mul3A_727 : vector<16xi32>
    %add3A_729 = arith.addi %add3A_728, %select_n3A_721 : vector<16xi32>
    %swap3A_730 = arith.constant 352 : index
    %swap3A_731 = tpu.vector_load %arg6[%swap3A_730] {strides = array<i32>} : memref<512xi32, #tpu.memory_space<vmem>>, vector<16xi32>,
    %swap3A_732 = vector.shape_cast %swap3A_731 : vector<16xi32> to vector<16xi32>
    %swap3A_733 = vector.shape_cast %add3A_729 : vector<16xi32> to vector<16xi32>
    tpu.vector_store %arg6[%swap3A_730], %swap3A_733 {strides = array<i32>} : memref<512xi32, #tpu.memory_space<vmem>>, vector<16xi32>,
    %get3A_734 = arith.constant 0 : i32
    %get3A_735 = arith.index_cast %get3A_734 : i32 to index
    %get3A_736 = arith.constant 368 : index
    %get3A_737 = tpu.vector_load %arg5[%get3A_735, %get3A_736] {strides = array<i32>} : memref<3x512xi32, #tpu.memory_space<vmem>>, vector<1x16xi32>,
    %get3A_738 = vector.shape_cast %get3A_737 : vector<1x16xi32> to vector<16xi32>
    %get3A_739 = arith.constant 1 : i32
    %get3A_740 = arith.index_cast %get3A_739 : i32 to index
    %get3A_741 = arith.constant 368 : index
    %get3A_742 = tpu.vector_load %arg5[%get3A_740, %get3A_741] {strides = array<i32>} : memref<3x512xi32, #tpu.memory_space<vmem>>, vector<1x16xi32>,
    %get3A_743 = vector.shape_cast %get3A_742 : vector<1x16xi32> to vector<16xi32>
    %get3A_744 = arith.constant 2 : i32
    %get3A_745 = arith.index_cast %get3A_744 : i32 to index
    %get3A_746 = arith.constant 368 : index
    %get3A_747 = tpu.vector_load %arg5[%get3A_745, %get3A_746] {strides = array<i32>} : memref<3x512xi32, #tpu.memory_space<vmem>>, vector<1x16xi32>,
    %get3A_748 = vector.shape_cast %get3A_747 : vector<1x16xi32> to vector<16xi32>
    %gt3A_749 = arith.cmpi sgt, %get3A_748, %get3A_743 : vector<16xi32>
    %sub3A_750 = arith.constant 1 : i32
    %sub3A_751 = vector.broadcast %sub3A_750 : i32 to vector<16xi32>
    %sub3A_752 = arith.subi %get3A_748, %sub3A_751 : vector<16xi32>
    %select_n3A_753 = arith.select %gt3A_749, %sub3A_752, %get3A_748 : vector<16xi1>, vector<16xi32>
    %mul3A_754 = arith.constant 992 : i32
    %mul3A_755 = vector.broadcast %mul3A_754 : i32 to vector<16xi32>
    %mul3A_756 = arith.muli %get3A_738, %mul3A_755 : vector<16xi32>
    %mul3A_757 = arith.constant 31 : i32
    %mul3A_758 = vector.broadcast %mul3A_757 : i32 to vector<16xi32>
    %mul3A_759 = arith.muli %get3A_743, %mul3A_758 : vector<16xi32>
    %add3A_760 = arith.addi %mul3A_756, %mul3A_759 : vector<16xi32>
    %add3A_761 = arith.addi %add3A_760, %select_n3A_753 : vector<16xi32>
    %swap3A_762 = arith.constant 368 : index
    %swap3A_763 = tpu.vector_load %arg6[%swap3A_762] {strides = array<i32>} : memref<512xi32, #tpu.memory_space<vmem>>, vector<16xi32>,
    %swap3A_764 = vector.shape_cast %swap3A_763 : vector<16xi32> to vector<16xi32>
    %swap3A_765 = vector.shape_cast %add3A_761 : vector<16xi32> to vector<16xi32>
    tpu.vector_store %arg6[%swap3A_762], %swap3A_765 {strides = array<i32>} : memref<512xi32, #tpu.memory_space<vmem>>, vector<16xi32>,
    %get3A_766 = arith.constant 0 : i32
    %get3A_767 = arith.index_cast %get3A_766 : i32 to index
    %get3A_768 = arith.constant 384 : index
    %get3A_769 = tpu.vector_load %arg5[%get3A_767, %get3A_768] {strides = array<i32>} : memref<3x512xi32, #tpu.memory_space<vmem>>, vector<1x16xi32>,
    %get3A_770 = vector.shape_cast %get3A_769 : vector<1x16xi32> to vector<16xi32>
    %get3A_771 = arith.constant 1 : i32
    %get3A_772 = arith.index_cast %get3A_771 : i32 to index
    %get3A_773 = arith.constant 384 : index
    %get3A_774 = tpu.vector_load %arg5[%get3A_772, %get3A_773] {strides = array<i32>} : memref<3x512xi32, #tpu.memory_space<vmem>>, vector<1x16xi32>,
    %get3A_775 = vector.shape_cast %get3A_774 : vector<1x16xi32> to vector<16xi32>
    %get3A_776 = arith.constant 2 : i32
    %get3A_777 = arith.index_cast %get3A_776 : i32 to index
    %get3A_778 = arith.constant 384 : index
    %get3A_779 = tpu.vector_load %arg5[%get3A_777, %get3A_778] {strides = array<i32>} : memref<3x512xi32, #tpu.memory_space<vmem>>, vector<1x16xi32>,
    %get3A_780 = vector.shape_cast %get3A_779 : vector<1x16xi32> to vector<16xi32>
    %gt3A_781 = arith.cmpi sgt, %get3A_780, %get3A_775 : vector<16xi32>
    %sub3A_782 = arith.constant 1 : i32
    %sub3A_783 = vector.broadcast %sub3A_782 : i32 to vector<16xi32>
    %sub3A_784 = arith.subi %get3A_780, %sub3A_783 : vector<16xi32>
    %select_n3A_785 = arith.select %gt3A_781, %sub3A_784, %get3A_780 : vector<16xi1>, vector<16xi32>
    %mul3A_786 = arith.constant 992 : i32
    %mul3A_787 = vector.broadcast %mul3A_786 : i32 to vector<16xi32>
    %mul3A_788 = arith.muli %get3A_770, %mul3A_787 : vector<16xi32>
    %mul3A_789 = arith.constant 31 : i32
    %mul3A_790 = vector.broadcast %mul3A_789 : i32 to vector<16xi32>
    %mul3A_791 = arith.muli %get3A_775, %mul3A_790 : vector<16xi32>
    %add3A_792 = arith.addi %mul3A_788, %mul3A_791 : vector<16xi32>
    %add3A_793 = arith.addi %add3A_792, %select_n3A_785 : vector<16xi32>
    %swap3A_794 = arith.constant 384 : index
    %swap3A_795 = tpu.vector_load %arg6[%swap3A_794] {strides = array<i32>} : memref<512xi32, #tpu.memory_space<vmem>>, vector<16xi32>,
    %swap3A_796 = vector.shape_cast %swap3A_795 : vector<16xi32> to vector<16xi32>
    %swap3A_797 = vector.shape_cast %add3A_793 : vector<16xi32> to vector<16xi32>
    tpu.vector_store %arg6[%swap3A_794], %swap3A_797 {strides = array<i32>} : memref<512xi32, #tpu.memory_space<vmem>>, vector<16xi32>,
    %get3A_798 = arith.constant 0 : i32
    %get3A_799 = arith.index_cast %get3A_798 : i32 to index
    %get3A_800 = arith.constant 400 : index
    %get3A_801 = tpu.vector_load %arg5[%get3A_799, %get3A_800] {strides = array<i32>} : memref<3x512xi32, #tpu.memory_space<vmem>>, vector<1x16xi32>,
    %get3A_802 = vector.shape_cast %get3A_801 : vector<1x16xi32> to vector<16xi32>
    %get3A_803 = arith.constant 1 : i32
    %get3A_804 = arith.index_cast %get3A_803 : i32 to index
    %get3A_805 = arith.constant 400 : index
    %get3A_806 = tpu.vector_load %arg5[%get3A_804, %get3A_805] {strides = array<i32>} : memref<3x512xi32, #tpu.memory_space<vmem>>, vector<1x16xi32>,
    %get3A_807 = vector.shape_cast %get3A_806 : vector<1x16xi32> to vector<16xi32>
    %get3A_808 = arith.constant 2 : i32
    %get3A_809 = arith.index_cast %get3A_808 : i32 to index
    %get3A_810 = arith.constant 400 : index
    %get3A_811 = tpu.vector_load %arg5[%get3A_809, %get3A_810] {strides = array<i32>} : memref<3x512xi32, #tpu.memory_space<vmem>>, vector<1x16xi32>,
    %get3A_812 = vector.shape_cast %get3A_811 : vector<1x16xi32> to vector<16xi32>
    %gt3A_813 = arith.cmpi sgt, %get3A_812, %get3A_807 : vector<16xi32>
    %sub3A_814 = arith.constant 1 : i32
    %sub3A_815 = vector.broadcast %sub3A_814 : i32 to vector<16xi32>
    %sub3A_816 = arith.subi %get3A_812, %sub3A_815 : vector<16xi32>
    %select_n3A_817 = arith.select %gt3A_813, %sub3A_816, %get3A_812 : vector<16xi1>, vector<16xi32>
    %mul3A_818 = arith.constant 992 : i32
    %mul3A_819 = vector.broadcast %mul3A_818 : i32 to vector<16xi32>
    %mul3A_820 = arith.muli %get3A_802, %mul3A_819 : vector<16xi32>
    %mul3A_821 = arith.constant 31 : i32
    %mul3A_822 = vector.broadcast %mul3A_821 : i32 to vector<16xi32>
    %mul3A_823 = arith.muli %get3A_807, %mul3A_822 : vector<16xi32>
    %add3A_824 = arith.addi %mul3A_820, %mul3A_823 : vector<16xi32>
    %add3A_825 = arith.addi %add3A_824, %select_n3A_817 : vector<16xi32>
    %swap3A_826 = arith.constant 400 : index
    %swap3A_827 = tpu.vector_load %arg6[%swap3A_826] {strides = array<i32>} : memref<512xi32, #tpu.memory_space<vmem>>, vector<16xi32>,
    %swap3A_828 = vector.shape_cast %swap3A_827 : vector<16xi32> to vector<16xi32>
    %swap3A_829 = vector.shape_cast %add3A_825 : vector<16xi32> to vector<16xi32>
    tpu.vector_store %arg6[%swap3A_826], %swap3A_829 {strides = array<i32>} : memref<512xi32, #tpu.memory_space<vmem>>, vector<16xi32>,
    %get3A_830 = arith.constant 0 : i32
    %get3A_831 = arith.index_cast %get3A_830 : i32 to index
    %get3A_832 = arith.constant 416 : index
    %get3A_833 = tpu.vector_load %arg5[%get3A_831, %get3A_832] {strides = array<i32>} : memref<3x512xi32, #tpu.memory_space<vmem>>, vector<1x16xi32>,
    %get3A_834 = vector.shape_cast %get3A_833 : vector<1x16xi32> to vector<16xi32>
    %get3A_835 = arith.constant 1 : i32
    %get3A_836 = arith.index_cast %get3A_835 : i32 to index
    %get3A_837 = arith.constant 416 : index
    %get3A_838 = tpu.vector_load %arg5[%get3A_836, %get3A_837] {strides = array<i32>} : memref<3x512xi32, #tpu.memory_space<vmem>>, vector<1x16xi32>,
    %get3A_839 = vector.shape_cast %get3A_838 : vector<1x16xi32> to vector<16xi32>
    %get3A_840 = arith.constant 2 : i32
    %get3A_841 = arith.index_cast %get3A_840 : i32 to index
    %get3A_842 = arith.constant 416 : index
    %get3A_843 = tpu.vector_load %arg5[%get3A_841, %get3A_842] {strides = array<i32>} : memref<3x512xi32, #tpu.memory_space<vmem>>, vector<1x16xi32>,
    %get3A_844 = vector.shape_cast %get3A_843 : vector<1x16xi32> to vector<16xi32>
    %gt3A_845 = arith.cmpi sgt, %get3A_844, %get3A_839 : vector<16xi32>
    %sub3A_846 = arith.constant 1 : i32
    %sub3A_847 = vector.broadcast %sub3A_846 : i32 to vector<16xi32>
    %sub3A_848 = arith.subi %get3A_844, %sub3A_847 : vector<16xi32>
    %select_n3A_849 = arith.select %gt3A_845, %sub3A_848, %get3A_844 : vector<16xi1>, vector<16xi32>
    %mul3A_850 = arith.constant 992 : i32
    %mul3A_851 = vector.broadcast %mul3A_850 : i32 to vector<16xi32>
    %mul3A_852 = arith.muli %get3A_834, %mul3A_851 : vector<16xi32>
    %mul3A_853 = arith.constant 31 : i32
    %mul3A_854 = vector.broadcast %mul3A_853 : i32 to vector<16xi32>
    %mul3A_855 = arith.muli %get3A_839, %mul3A_854 : vector<16xi32>
    %add3A_856 = arith.addi %mul3A_852, %mul3A_855 : vector<16xi32>
    %add3A_857 = arith.addi %add3A_856, %select_n3A_849 : vector<16xi32>
    %swap3A_858 = arith.constant 416 : index
    %swap3A_859 = tpu.vector_load %arg6[%swap3A_858] {strides = array<i32>} : memref<512xi32, #tpu.memory_space<vmem>>, vector<16xi32>,
    %swap3A_860 = vector.shape_cast %swap3A_859 : vector<16xi32> to vector<16xi32>
    %swap3A_861 = vector.shape_cast %add3A_857 : vector<16xi32> to vector<16xi32>
    tpu.vector_store %arg6[%swap3A_858], %swap3A_861 {strides = array<i32>} : memref<512xi32, #tpu.memory_space<vmem>>, vector<16xi32>,
    %get3A_862 = arith.constant 0 : i32
    %get3A_863 = arith.index_cast %get3A_862 : i32 to index
    %get3A_864 = arith.constant 432 : index
    %get3A_865 = tpu.vector_load %arg5[%get3A_863, %get3A_864] {strides = array<i32>} : memref<3x512xi32, #tpu.memory_space<vmem>>, vector<1x16xi32>,
    %get3A_866 = vector.shape_cast %get3A_865 : vector<1x16xi32> to vector<16xi32>
    %get3A_867 = arith.constant 1 : i32
    %get3A_868 = arith.index_cast %get3A_867 : i32 to index
    %get3A_869 = arith.constant 432 : index
    %get3A_870 = tpu.vector_load %arg5[%get3A_868, %get3A_869] {strides = array<i32>} : memref<3x512xi32, #tpu.memory_space<vmem>>, vector<1x16xi32>,
    %get3A_871 = vector.shape_cast %get3A_870 : vector<1x16xi32> to vector<16xi32>
    %get3A_872 = arith.constant 2 : i32
    %get3A_873 = arith.index_cast %get3A_872 : i32 to index
    %get3A_874 = arith.constant 432 : index
    %get3A_875 = tpu.vector_load %arg5[%get3A_873, %get3A_874] {strides = array<i32>} : memref<3x512xi32, #tpu.memory_space<vmem>>, vector<1x16xi32>,
    %get3A_876 = vector.shape_cast %get3A_875 : vector<1x16xi32> to vector<16xi32>
    %gt3A_877 = arith.cmpi sgt, %get3A_876, %get3A_871 : vector<16xi32>
    %sub3A_878 = arith.constant 1 : i32
    %sub3A_879 = vector.broadcast %sub3A_878 : i32 to vector<16xi32>
    %sub3A_880 = arith.subi %get3A_876, %sub3A_879 : vector<16xi32>
    %select_n3A_881 = arith.select %gt3A_877, %sub3A_880, %get3A_876 : vector<16xi1>, vector<16xi32>
    %mul3A_882 = arith.constant 992 : i32
    %mul3A_883 = vector.broadcast %mul3A_882 : i32 to vector<16xi32>
    %mul3A_884 = arith.muli %get3A_866, %mul3A_883 : vector<16xi32>
    %mul3A_885 = arith.constant 31 : i32
    %mul3A_886 = vector.broadcast %mul3A_885 : i32 to vector<16xi32>
    %mul3A_887 = arith.muli %get3A_871, %mul3A_886 : vector<16xi32>
    %add3A_888 = arith.addi %mul3A_884, %mul3A_887 : vector<16xi32>
    %add3A_889 = arith.addi %add3A_888, %select_n3A_881 : vector<16xi32>
    %swap3A_890 = arith.constant 432 : index
    %swap3A_891 = tpu.vector_load %arg6[%swap3A_890] {strides = array<i32>} : memref<512xi32, #tpu.memory_space<vmem>>, vector<16xi32>,
    %swap3A_892 = vector.shape_cast %swap3A_891 : vector<16xi32> to vector<16xi32>
    %swap3A_893 = vector.shape_cast %add3A_889 : vector<16xi32> to vector<16xi32>
    tpu.vector_store %arg6[%swap3A_890], %swap3A_893 {strides = array<i32>} : memref<512xi32, #tpu.memory_space<vmem>>, vector<16xi32>,
    %get3A_894 = arith.constant 0 : i32
    %get3A_895 = arith.index_cast %get3A_894 : i32 to index
    %get3A_896 = arith.constant 448 : index
    %get3A_897 = tpu.vector_load %arg5[%get3A_895, %get3A_896] {strides = array<i32>} : memref<3x512xi32, #tpu.memory_space<vmem>>, vector<1x16xi32>,
    %get3A_898 = vector.shape_cast %get3A_897 : vector<1x16xi32> to vector<16xi32>
    %get3A_899 = arith.constant 1 : i32
    %get3A_900 = arith.index_cast %get3A_899 : i32 to index
    %get3A_901 = arith.constant 448 : index
    %get3A_902 = tpu.vector_load %arg5[%get3A_900, %get3A_901] {strides = array<i32>} : memref<3x512xi32, #tpu.memory_space<vmem>>, vector<1x16xi32>,
    %get3A_903 = vector.shape_cast %get3A_902 : vector<1x16xi32> to vector<16xi32>
    %get3A_904 = arith.constant 2 : i32
    %get3A_905 = arith.index_cast %get3A_904 : i32 to index
    %get3A_906 = arith.constant 448 : index
    %get3A_907 = tpu.vector_load %arg5[%get3A_905, %get3A_906] {strides = array<i32>} : memref<3x512xi32, #tpu.memory_space<vmem>>, vector<1x16xi32>,
    %get3A_908 = vector.shape_cast %get3A_907 : vector<1x16xi32> to vector<16xi32>
    %gt3A_909 = arith.cmpi sgt, %get3A_908, %get3A_903 : vector<16xi32>
    %sub3A_910 = arith.constant 1 : i32
    %sub3A_911 = vector.broadcast %sub3A_910 : i32 to vector<16xi32>
    %sub3A_912 = arith.subi %get3A_908, %sub3A_911 : vector<16xi32>
    %select_n3A_913 = arith.select %gt3A_909, %sub3A_912, %get3A_908 : vector<16xi1>, vector<16xi32>
    %mul3A_914 = arith.constant 992 : i32
    %mul3A_915 = vector.broadcast %mul3A_914 : i32 to vector<16xi32>
    %mul3A_916 = arith.muli %get3A_898, %mul3A_915 : vector<16xi32>
    %mul3A_917 = arith.constant 31 : i32
    %mul3A_918 = vector.broadcast %mul3A_917 : i32 to vector<16xi32>
    %mul3A_919 = arith.muli %get3A_903, %mul3A_918 : vector<16xi32>
    %add3A_920 = arith.addi %mul3A_916, %mul3A_919 : vector<16xi32>
    %add3A_921 = arith.addi %add3A_920, %select_n3A_913 : vector<16xi32>
    %swap3A_922 = arith.constant 448 : index
    %swap3A_923 = tpu.vector_load %arg6[%swap3A_922] {strides = array<i32>} : memref<512xi32, #tpu.memory_space<vmem>>, vector<16xi32>,
    %swap3A_924 = vector.shape_cast %swap3A_923 : vector<16xi32> to vector<16xi32>
    %swap3A_925 = vector.shape_cast %add3A_921 : vector<16xi32> to vector<16xi32>
    tpu.vector_store %arg6[%swap3A_922], %swap3A_925 {strides = array<i32>} : memref<512xi32, #tpu.memory_space<vmem>>, vector<16xi32>,
    %get3A_926 = arith.constant 0 : i32
    %get3A_927 = arith.index_cast %get3A_926 : i32 to index
    %get3A_928 = arith.constant 464 : index
    %get3A_929 = tpu.vector_load %arg5[%get3A_927, %get3A_928] {strides = array<i32>} : memref<3x512xi32, #tpu.memory_space<vmem>>, vector<1x16xi32>,
    %get3A_930 = vector.shape_cast %get3A_929 : vector<1x16xi32> to vector<16xi32>
    %get3A_931 = arith.constant 1 : i32
    %get3A_932 = arith.index_cast %get3A_931 : i32 to index
    %get3A_933 = arith.constant 464 : index
    %get3A_934 = tpu.vector_load %arg5[%get3A_932, %get3A_933] {strides = array<i32>} : memref<3x512xi32, #tpu.memory_space<vmem>>, vector<1x16xi32>,
    %get3A_935 = vector.shape_cast %get3A_934 : vector<1x16xi32> to vector<16xi32>
    %get3A_936 = arith.constant 2 : i32
    %get3A_937 = arith.index_cast %get3A_936 : i32 to index
    %get3A_938 = arith.constant 464 : index
    %get3A_939 = tpu.vector_load %arg5[%get3A_937, %get3A_938] {strides = array<i32>} : memref<3x512xi32, #tpu.memory_space<vmem>>, vector<1x16xi32>,
    %get3A_940 = vector.shape_cast %get3A_939 : vector<1x16xi32> to vector<16xi32>
    %gt3A_941 = arith.cmpi sgt, %get3A_940, %get3A_935 : vector<16xi32>
    %sub3A_942 = arith.constant 1 : i32
    %sub3A_943 = vector.broadcast %sub3A_942 : i32 to vector<16xi32>
    %sub3A_944 = arith.subi %get3A_940, %sub3A_943 : vector<16xi32>
    %select_n3A_945 = arith.select %gt3A_941, %sub3A_944, %get3A_940 : vector<16xi1>, vector<16xi32>
    %mul3A_946 = arith.constant 992 : i32
    %mul3A_947 = vector.broadcast %mul3A_946 : i32 to vector<16xi32>
    %mul3A_948 = arith.muli %get3A_930, %mul3A_947 : vector<16xi32>
    %mul3A_949 = arith.constant 31 : i32
    %mul3A_950 = vector.broadcast %mul3A_949 : i32 to vector<16xi32>
    %mul3A_951 = arith.muli %get3A_935, %mul3A_950 : vector<16xi32>
    %add3A_952 = arith.addi %mul3A_948, %mul3A_951 : vector<16xi32>
    %add3A_953 = arith.addi %add3A_952, %select_n3A_945 : vector<16xi32>
    %swap3A_954 = arith.constant 464 : index
    %swap3A_955 = tpu.vector_load %arg6[%swap3A_954] {strides = array<i32>} : memref<512xi32, #tpu.memory_space<vmem>>, vector<16xi32>,
    %swap3A_956 = vector.shape_cast %swap3A_955 : vector<16xi32> to vector<16xi32>
    %swap3A_957 = vector.shape_cast %add3A_953 : vector<16xi32> to vector<16xi32>
    tpu.vector_store %arg6[%swap3A_954], %swap3A_957 {strides = array<i32>} : memref<512xi32, #tpu.memory_space<vmem>>, vector<16xi32>,
    %get3A_958 = arith.constant 0 : i32
    %get3A_959 = arith.index_cast %get3A_958 : i32 to index
    %get3A_960 = arith.constant 480 : index
    %get3A_961 = tpu.vector_load %arg5[%get3A_959, %get3A_960] {strides = array<i32>} : memref<3x512xi32, #tpu.memory_space<vmem>>, vector<1x16xi32>,
    %get3A_962 = vector.shape_cast %get3A_961 : vector<1x16xi32> to vector<16xi32>
    %get3A_963 = arith.constant 1 : i32
    %get3A_964 = arith.index_cast %get3A_963 : i32 to index
    %get3A_965 = arith.constant 480 : index
    %get3A_966 = tpu.vector_load %arg5[%get3A_964, %get3A_965] {strides = array<i32>} : memref<3x512xi32, #tpu.memory_space<vmem>>, vector<1x16xi32>,
    %get3A_967 = vector.shape_cast %get3A_966 : vector<1x16xi32> to vector<16xi32>
    %get3A_968 = arith.constant 2 : i32
    %get3A_969 = arith.index_cast %get3A_968 : i32 to index
    %get3A_970 = arith.constant 480 : index
    %get3A_971 = tpu.vector_load %arg5[%get3A_969, %get3A_970] {strides = array<i32>} : memref<3x512xi32, #tpu.memory_space<vmem>>, vector<1x16xi32>,
    %get3A_972 = vector.shape_cast %get3A_971 : vector<1x16xi32> to vector<16xi32>
    %gt3A_973 = arith.cmpi sgt, %get3A_972, %get3A_967 : vector<16xi32>
    %sub3A_974 = arith.constant 1 : i32
    %sub3A_975 = vector.broadcast %sub3A_974 : i32 to vector<16xi32>
    %sub3A_976 = arith.subi %get3A_972, %sub3A_975 : vector<16xi32>
    %select_n3A_977 = arith.select %gt3A_973, %sub3A_976, %get3A_972 : vector<16xi1>, vector<16xi32>
    %mul3A_978 = arith.constant 992 : i32
    %mul3A_979 = vector.broadcast %mul3A_978 : i32 to vector<16xi32>
    %mul3A_980 = arith.muli %get3A_962, %mul3A_979 : vector<16xi32>
    %mul3A_981 = arith.constant 31 : i32
    %mul3A_982 = vector.broadcast %mul3A_981 : i32 to vector<16xi32>
    %mul3A_983 = arith.muli %get3A_967, %mul3A_982 : vector<16xi32>
    %add3A_984 = arith.addi %mul3A_980, %mul3A_983 : vector<16xi32>
    %add3A_985 = arith.addi %add3A_984, %select_n3A_977 : vector<16xi32>
    %swap3A_986 = arith.constant 480 : index
    %swap3A_987 = tpu.vector_load %arg6[%swap3A_986] {strides = array<i32>} : memref<512xi32, #tpu.memory_space<vmem>>, vector<16xi32>,
    %swap3A_988 = vector.shape_cast %swap3A_987 : vector<16xi32> to vector<16xi32>
    %swap3A_989 = vector.shape_cast %add3A_985 : vector<16xi32> to vector<16xi32>
    tpu.vector_store %arg6[%swap3A_986], %swap3A_989 {strides = array<i32>} : memref<512xi32, #tpu.memory_space<vmem>>, vector<16xi32>,
    %get3A_990 = arith.constant 0 : i32
    %get3A_991 = arith.index_cast %get3A_990 : i32 to index
    %get3A_992 = arith.constant 496 : index
    %get3A_993 = tpu.vector_load %arg5[%get3A_991, %get3A_992] {strides = array<i32>} : memref<3x512xi32, #tpu.memory_space<vmem>>, vector<1x16xi32>,
    %get3A_994 = vector.shape_cast %get3A_993 : vector<1x16xi32> to vector<16xi32>
    %get3A_995 = arith.constant 1 : i32
    %get3A_996 = arith.index_cast %get3A_995 : i32 to index
    %get3A_997 = arith.constant 496 : index
    %get3A_998 = tpu.vector_load %arg5[%get3A_996, %get3A_997] {strides = array<i32>} : memref<3x512xi32, #tpu.memory_space<vmem>>, vector<1x16xi32>,
    %get3A_999 = vector.shape_cast %get3A_998 : vector<1x16xi32> to vector<16xi32>
    %get3A_1000 = arith.constant 2 : i32
    %get3A_1001 = arith.index_cast %get3A_1000 : i32 to index
    %get3A_1002 = arith.constant 496 : index
    %get3A_1003 = tpu.vector_load %arg5[%get3A_1001, %get3A_1002] {strides = array<i32>} : memref<3x512xi32, #tpu.memory_space<vmem>>, vector<1x16xi32>,
    %get3A_1004 = vector.shape_cast %get3A_1003 : vector<1x16xi32> to vector<16xi32>
    %gt3A_1005 = arith.cmpi sgt, %get3A_1004, %get3A_999 : vector<16xi32>
    %sub3A_1006 = arith.constant 1 : i32
    %sub3A_1007 = vector.broadcast %sub3A_1006 : i32 to vector<16xi32>
    %sub3A_1008 = arith.subi %get3A_1004, %sub3A_1007 : vector<16xi32>
    %select_n3A_1009 = arith.select %gt3A_1005, %sub3A_1008, %get3A_1004 : vector<16xi1>, vector<16xi32>
    %mul3A_1010 = arith.constant 992 : i32
    %mul3A_1011 = vector.broadcast %mul3A_1010 : i32 to vector<16xi32>
    %mul3A_1012 = arith.muli %get3A_994, %mul3A_1011 : vector<16xi32>
    %mul3A_1013 = arith.constant 31 : i32
    %mul3A_1014 = vector.broadcast %mul3A_1013 : i32 to vector<16xi32>
    %mul3A_1015 = arith.muli %get3A_999, %mul3A_1014 : vector<16xi32>
    %add3A_1016 = arith.addi %mul3A_1012, %mul3A_1015 : vector<16xi32>
    %add3A_1017 = arith.addi %add3A_1016, %select_n3A_1009 : vector<16xi32>
    %swap3A_1018 = arith.constant 496 : index
    %swap3A_1019 = tpu.vector_load %arg6[%swap3A_1018] {strides = array<i32>} : memref<512xi32, #tpu.memory_space<vmem>>, vector<16xi32>,
    %swap3A_1020 = vector.shape_cast %swap3A_1019 : vector<16xi32> to vector<16xi32>
    %swap3A_1021 = vector.shape_cast %add3A_1017 : vector<16xi32> to vector<16xi32>
    tpu.vector_store %arg6[%swap3A_1018], %swap3A_1021 {strides = array<i32>} : memref<512xi32, #tpu.memory_space<vmem>>, vector<16xi32>,
    %dma_start3A = arith.constant 0 : i32
    %dma_start3A_1022 = arith.constant 0 : i32
    %dma_start3A_1023 = tpu.memref_slice %arg3[%dma_start3A, %dma_start3A_1022] : memref<99200x128xf32, #tpu.memory_space<hbm>> -> memref<99200x128xf32, #tpu.memory_space<hbm>>
    tpu.enqueue_indirect_dma source(%dma_start3A_1023 : memref<99200x128xf32, #tpu.memory_space<hbm>>) target(%arg7 : memref<512x128xf32, #tpu.memory_space<vmem>>) offsets(%arg6 : memref<512xi32, #tpu.memory_space<vmem>>) semaphore(%arg8 : memref<!tpu.dma_semaphore, #tpu.memory_space<semaphore_mem>>)
    %dma_wait3A = arith.constant 0 : i32
    %dma_wait3A_1024 = arith.constant 0 : i32
    %dma_wait3A_1025 = tpu.memref_slice %arg3[%dma_wait3A, %dma_wait3A_1024] : memref<99200x128xf32, #tpu.memory_space<hbm>> -> memref<99200x128xf32, #tpu.memory_space<hbm>>
    tpu.wait_indirect_dma semaphore(%arg8 : memref<!tpu.dma_semaphore, #tpu.memory_space<semaphore_mem>>) src(%dma_wait3A_1025 : memref<99200x128xf32, #tpu.memory_space<hbm>>) dst(%arg7 : memref<512x128xf32, #tpu.memory_space<vmem>>)
    "tpu.region"() ({
      %run_scoped3A = tpu.sem_alloc : memref<!tpu.dma_semaphore, #tpu.memory_space<semaphore_mem>>
      %dma_start3A_1026 = arith.constant 0 : i32
      %dma_start3A_1027 = tpu.memref_slice %arg4[%mul3A_2, %dma_start3A_1026] : memref<16384x128xf32, #tpu.memory_space<hbm>> -> memref<512x128xf32, #tpu.memory_space<hbm>>
      %dma_start3A_1028 = arith.constant 0 : i32
      %dma_start3A_1029 = tpu.memref_slice %arg4[%mul3A_2, %dma_start3A_1028] : memref<16384x128xf32, #tpu.memory_space<hbm>> -> memref<512x128xf32, #tpu.memory_space<hbm>>
      tpu.enqueue_dma source(%arg7 : memref<512x128xf32, #tpu.memory_space<vmem>>) target(%dma_start3A_1029 : memref<512x128xf32, #tpu.memory_space<hbm>>) target_semaphore(%run_scoped3A : memref<!tpu.dma_semaphore, #tpu.memory_space<semaphore_mem>>)
      %dma_wait3A_1030 = arith.constant 0 : i32
      %dma_wait3A_1031 = tpu.memref_slice %arg4[%mul3A_2, %dma_wait3A_1030] : memref<16384x128xf32, #tpu.memory_space<hbm>> -> memref<512x128xf32, #tpu.memory_space<hbm>>
      %dma_wait3A_1032 = arith.constant 0 : i32
      %dma_wait3A_1033 = tpu.memref_slice %arg4[%mul3A_2, %dma_wait3A_1032] : memref<16384x128xf32, #tpu.memory_space<hbm>> -> memref<512x128xf32, #tpu.memory_space<hbm>>
      tpu.wait_dma2 semaphore(%run_scoped3A : memref<!tpu.dma_semaphore, #tpu.memory_space<semaphore_mem>>) src(%arg7 : memref<512x128xf32, #tpu.memory_space<vmem>>) dst(%dma_wait3A_1033 : memref<512x128xf32, #tpu.memory_space<hbm>>)
      tpu.yield
    }) : () -> ()
    return
  }
}

</mosaic_0001>

<sc_bundles>
// kernel: kernel.3.cloned.1.call-start
scs
__scs_entry_jumppad:
0x0: {  	(pc) =	sbr.rel $0x88, $3  }
0x1: {  	(tag) =	ssettag $0x0;
	lr =	simm.s32 $0x1  }
0x2: {  	[smem:$0x3F9F] =	sst lr;
	_ =	strace $0xD0000000  }
0x3: {  	_ = 	snop  }
0x4: {  	_ = 	snop  }
0x5: {  	_ = 	snop  }
0x6: {  	_ = 	snop  }
0x7: {  	_ = 	snop  }
__scs_overlays_trampoline_lowered:
0x8: {  	[smem:$0x3FAE] =	sst s0  }
0x9: {  	[smem:$0x3FAF] =	sst s1  }
0xa: {  	[smem:$0x3FB0] =	sst s2  }
0xb: {  	[smem:$0x3FB1] =	sst s3  }
0xc: {  	[smem:$0x3FB2] =	sst s4  }
0xd: {  	[smem:$0x3FB3] =	sst s5  }
0xe: {  	[smem:$0x3FB4] =	sst s6  }
0xf: {  	[smem:$0x3FB5] =	sst s7  }
0x10: {  	[smem:$0x3FB6] =	sst s8  }
0x11: {  	[smem:$0x3FB7] =	sst s9;
	s0 =	simm.s32 @!p0 $0x0  }
0x12: {  	s1 =	sld [smem:$0x3F9D];
	s0 =	simm.s32 @p0 $0x1  }
0x13: {  	[smem:$0x3FB8] =	sst s0;
	s0 =	simm.s32 @!p1 $0x0  }
0x14: {  	s2 =	sld [smem:$0x3F9C];
	s0 =	simm.s32 @p1 $0x1  }
0x15: {  	[smem:$0x3FB9] =	sst s0;
	s0 =	simm.s32 @!p2 $0x0  }
0x16: {  	s3 =	sld [smem:$0x3FDB];
	s0 =	simm.s32 @p2 $0x1  }
0x17: {  	s4 =	simm.s32 $0x1BF5;
	[smem:$0x3FBB] =	sst s0  }
0x18: {  	s0 =	sld [smem:$0x3F9E];
	_ =	swait.ge [sflag:s4], $0x0  }
0x19: {  	s7 =	sld [smem:$0x3F9F]  }
0x1a: {  	s8 =	sadd.s32 $0xFFFFE003, lr  }
0x1b: {  	s9 =	sadd.s32 $0xFFFFFEF7, lr;
	s5 =	simm.s32 $0xFFFFFFFF;
	p2 =	slt.u32 s8, $0xFFFFF086  }
0x1c: {  	p1 =	slt.u32 s9, $0xF7A;
	s5 =	simm.s32 @!p2 $0x0  }
0x1d: {  	s5 =	simm.s32 @p1 $0x1;
	p0 =	seq.s32 s7, s2  }
0x1e: {  	s7 =	smul.u32 @!p0 $0xF7A, s2;
	p2 =	seq.s32 @!p0 s5, $0x0  }
0x1f: {  	s9 =	smul.u32 $0xF7A, s1;
	s8 =	simm.s32 @!p0 $0x1BF5;
	p2 =	por !p2, p0  }
0x20: {  	[sflag:s8] =	ssyncset.s32 @!p0 $0xFFFFF086;
	s6 =	sadd.s32 @!p0 s3, s7;
	s7 =	simm.s32 @!p0 $0x108  }
0x21: {  	s3 =	sadd.s32 s3, s9;
	s6 =	sadd.s32 @!p0 $0x88, s6;
	s7 =	simm.s32 @p2 $0x1082  }
0x22: {  	[simem:s7], [sflag:s8] =	dma.local @!p0 [hbm:s6], $0xF7A  }
0x23: {  	s9 =	sor.u32 $0xD0000000, s2;
	s6 =	simm.s32 $0x108;
	_ =	swait.ge @!p0 [sflag:s8], $0x0  }
0x24: {  	s3 =	sadd.s32 $0x88, s3;
	s6 =	simm.s32 @!p1 $0x1082;
	[sflag:s4] =	ssyncset.s32 $0xFFFFF086  }
0x25: {  	[simem:s6], [sflag:s4] =	dma.local [hbm:s3], $0xF7A  }
0x26: {  	[smem:$0x3F9F] =	sst s1;
	(tag) =	ssettag s2;
	_ =	strace s9  }
0x27: {  	s1 =	sld [smem:$0x3FAF]  }
0x28: {  	s2 =	sld [smem:$0x3FB0]  }
0x29: {  	s4 =	sld [smem:$0x3FB2]  }
0x2a: {  	p0 =	seq.s32 s5, $0x0;
	s5 =	sld [smem:$0x3FB3]  }
0x2b: {  	s6 =	sld [smem:$0x3FB4]  }
0x2c: {  	s7 =	sld [smem:$0x3FB5]  }
0x2d: {  	s3 =	simm.s32 $0x108;
	s8 =	sld [smem:$0x3FB6]  }
0x2e: {  	s3 =	simm.s32 @!p0 $0x1082;
	s9 =	sld [smem:$0x3FB7]  }
0x2f: {  	lr =	sadd.s32 s0, s3;
	s0 =	sld [smem:$0x3FAE]  }
0x30: {  	s3 =	sld [smem:$0x3FB1]  }
0x31: {  	[smem:$0x3FBA] =	sst s10  }
0x32: {  	s10 =	sld [smem:$0x3FB8];
	_ =	sdelay $0x3  }
0x33: {  	p0 =	seq.s32 s10, $0x1;
	s10 =	sld [smem:$0x3FBA];
	_ =	sdelay $0x3  }
0x34: {  	[smem:$0x3FBA] =	sst s10  }
0x35: {  	s10 =	sld [smem:$0x3FB9];
	_ =	sdelay $0x3  }
0x36: {  	p1 =	seq.s32 s10, $0x1;
	s10 =	sld [smem:$0x3FBA];
	_ =	sdelay $0x3  }
0x37: {  	[smem:$0x3FBA] =	sst s10  }
0x38: {  	s10 =	sld [smem:$0x3FBB]  }
0x39: {  	_ = 	snop;
	(pc) =	sbr.ind lr, $3  }
0x3a: {  	_ = 	snop  }
0x3b: {  	_ = 	snop  }
0x3c: {  	p2 =	seq.s32 s10, $0x1;
	s10 =	sld [smem:$0x3FBA]  }
0x3d: {  	_ =	shalt  }
0x3e: {  	_ =	shalt  }
0x3f: {  	_ =	shalt  }
0x40: {  	_ =	shalt  }
0x41: {  	_ =	shalt  }
0x42: {  	_ =	shalt  }
0x43: {  	_ =	shalt  }
0x44: {  	_ =	shalt  }
0x45: {  	_ =	shalt  }
0x46: {  	_ =	shalt  }
0x47: {  	_ =	shalt  }
0x48: {  	_ =	shalt  }
0x49: {  	_ =	shalt  }
0x4a: {  	_ =	shalt  }
0x4b: {  	_ =	shalt  }
0x4c: {  	_ =	shalt  }
0x4d: {  	_ =	shalt  }
0x4e: {  	_ =	shalt  }
0x4f: {  	_ =	shalt  }
0x50: {  	_ =	shalt  }
0x51: {  	_ =	shalt  }
0x52: {  	_ =	shalt  }
0x53: {  	_ =	shalt  }
0x54: {  	_ =	shalt  }
0x55: {  	_ =	shalt  }
0x56: {  	_ =	shalt  }
0x57: {  	_ =	shalt  }
0x58: {  	_ =	shalt  }
0x59: {  	_ =	shalt  }
0x5a: {  	_ =	shalt  }
0x5b: {  	_ =	shalt  }
0x5c: {  	_ =	shalt  }
0x5d: {  	_ =	shalt  }
0x5e: {  	_ =	shalt  }
0x5f: {  	_ =	shalt  }
0x60: {  	_ =	shalt  }
0x61: {  	_ =	shalt  }
0x62: {  	_ =	shalt  }
0x63: {  	_ =	shalt  }
0x64: {  	_ =	shalt  }
0x65: {  	_ =	shalt  }
0x66: {  	_ =	shalt  }
0x67: {  	_ =	shalt  }
0x68: {  	_ =	shalt  }
0x69: {  	_ =	shalt  }
0x6a: {  	_ =	shalt  }
0x6b: {  	_ =	shalt  }
0x6c: {  	_ =	shalt  }
0x6d: {  	_ =	shalt  }
0x6e: {  	_ =	shalt  }
0x6f: {  	_ =	shalt  }
0x70: {  	_ =	shalt  }
0x71: {  	_ =	shalt  }
0x72: {  	_ =	shalt  }
0x73: {  	_ =	shalt  }
0x74: {  	_ =	shalt  }
0x75: {  	_ =	shalt  }
0x76: {  	_ =	shalt  }
0x77: {  	_ =	shalt  }
0x78: {  	_ =	shalt  }
0x79: {  	_ =	shalt  }
0x7a: {  	_ =	shalt  }
0x7b: {  	_ =	shalt  }
0x7c: {  	_ =	shalt  }
0x7d: {  	_ =	shalt  }
0x7e: {  	_ =	shalt  }
0x7f: {  	_ =	shalt  }
0x80: {  	_ =	shalt  }
0x81: {  	_ =	shalt  }
0x82: {  	_ =	shalt  }
0x83: {  	_ =	shalt  }
0x84: {  	_ =	shalt  }
0x85: {  	_ =	shalt  }
0x86: {  	_ =	shalt  }
0x87: {  	_ =	shalt  }
.Lfunc_end0:
.L_simem_size_0:
called_computation_lowered:
.L_overlay_start_0:
0x88: {  	s2 =	sld [smem:$0x3FD9]  }
0x89: {  	s3 =	sld [smem:$0x3FFE];
	_ =	sdelay $0x1  }
0x8a: {  	s1 =	srdreg.scid  }
0x8b: {  	s0 =	sand.u32 $0x1, s1  }
0x8c: {  	s18 =	sshll.u32 s0, $0xA;
	s2 =	sadd.s32 s3, s2  }
0x8d: {  	s2 =	sadd.s32 s2, s18  }
0x8e: {  	[smem:$0x3FC6] =	sst s2  }
0x8f: {  	_ = 	snop  }
0x90: {  	s2 =	sld [smem:$0x3FC9]  }
0x91: {  	s19 =	sld [smem:$0x3FC8]  }
0x92: {  	s4 =	sld [smem:$0x3FD0];
	(tm) =	ssettm $0x1  }
0x93: {  	s5 =	sld [smem:$0x3FFB];
	_ =	sdelay $0x3  }
0x94: {  	_ =	strace s5  }
0x95: {  	s5 =	sld [smem:$0x3FFC];
	_ =	sdelay $0x3  }
0x96: {  	_ =	strace s5  }
0x97: {  	s5 =	sld [smem:$0x3FFD];
	_ =	sdelay $0x3  }
0x98: {  	_ =	strace s5  }
0x99: {  	_ =	strace $0x8FFFFFFF  }
0x9a: {  	s20 =	sld [smem:$0x3FDB];
	_ =	sdelay $0x1  }
0x9b: {  	s6 =	simm.s32 $_scs_section_size  }
0x9c: {  	s7 =	simm.s32 $_size__tile_overlayer_lowered;
	s8 =	simm.s32 $_tile_overlayer_lowered  }
0x9d: {  	s23 =	simm.s32 $0x1BFF;
	s22 =	sshll.u32 s8, $0x1;
	s5 =	sadd.s32 s6, s20  }
0x9e: {  	s9 =	simm.s32 $0x0;
	s21 =	sshll.u32 s7, $0x1;
	s7 =	sadd.s32 s22, s5  }
0x9f: {  	[timem:s9], [sflag:s23] =	dma.local [hbm:s7], s21  }
0xa0: {  	_ =	swait.ge [sflag:s23], s21  }
0xa1: {  	s6 =	ssub.s32 $0x0, s21;
	[sflag:s23] =	ssyncset.done $0x0  }
0xa2: {  	[sflag:s23] =	ssyncadd.s32 s6;
	_ =	sdelay $0x1  }
0xa3: {  	s24 =	simm.s32 $0x1B8B  }
0xa4: {  	_ =	swait.ge [sflag:s24], $0x1  }
0xa5: {  	[sflag:s24] =	ssyncset.done $0x0  }
0xa6: {  	s25 =	simm.s32 $0x1B8E;
	[sflag:s24] =	ssyncadd.s32 $0xFFFFFFFF  }
0xa7: {  	s26 =	simm.s32 $execute0_lowered;
	[smem:$0x3FD2] =	sst s25  }
0xa8: {  	s6 =	sshll.u32 s26, $0x1;
	_ =	strace $0x80000046;
	[dreg:$0x1] =	wrdreg $0xFFFFFFFF  }
0xa9: {  	s28 =	simm.s32 $_size_execute0_lowered;
	s5 =	sadd.s32 s5, s6;
	[dreg:$0x0] =	wrdreg $0x0  }
0xaa: {  	s6 =	sshll.u32 s28, $0x1;
	[dreg:$0x2] =	wrdreg s5  }
0xab: {  	[dreg:$0x3] =	wrdreg s6  }
0xac: {  	[dreg:$0x4] =	wrdreg $0xC0  }
0xad: {  	_ =	task [dreg:s9], $0x5FFFF  }
0xae: {  	[dreg:$0x1] =	wrdreg $0xFFFFFFFF  }
0xaf: {  	[dreg:$0x0] =	wrdreg $0x60  }
0xb0: {  	[dreg:$0x2] =	wrdreg s2  }
0xb1: {  	[dreg:$0x3] =	wrdreg s19  }
0xb2: {  	[dreg:$0x4] =	wrdreg s4  }
0xb3: {  	[dreg:$0x5] =	wrdreg $0x9  }
0xb4: {  	_ =	task.clear_ibuf [dreg:s9], $0x6FFFF;
	_ =	strace $0x90000046  }
0xb5: {  	s29 =	simm.s32 $0x9;
	_ =	strace $0x80000048  }
0xb6: {  	_ =	swait.ge [sflag:s29], $0x1  }
0xb7: {  	[sflag:s29] =	ssyncadd.s32 $0xFFFFFFFF  }
0xb8: {  	_ =	strace $0x90000048  }
0xb9: {  	_ =	sfence  }
0xba: {  	s30 =	sld [smem:$0x0];
	_ =	sdelay $0x2  }
0xbb: {  	s31 =	sshll.u32 s1, $0xD;
	s1 =	sshrl.u32 s1, $0x2  }
0xbc: {  	s3 =	sand.u32 $0x4000, s31;
	s1 =	sadd.s32 s1, s30  }
0xbd: {  	s0 =	sor.u32 s3, s0;
	s1 =	sshll.u32 s1, $0x11  }
0xbe: {  	s0 =	sor.u32 s1, s0  }
0xbf: {  	s0 =	sadd.s32 $0x8F2B, s0  }
0xc0: {  	[sflag:s0] =	ssyncadd.remote.s32 $0x1  }
0xc1: {  	_ =	sfence.sel $0xFFFF  }
0xc2: {  	[dreg:$0x0] =	wrdreg $0xFFFFFFFF;
	(pc) =	sbr.abs _section_cstart, $3  }
0xc3: {  	[dreg:$0x1] =	wrdreg $0xFFFFFFFF  }
0xc4: {  	_ =	task.clear_ibuf [dreg:s9], $0x2FFFF;
	_ =	strace $0x9FFFFFFF  }
0xc5: {  	(tm) =	ssettm $0x7FFFFFFF  }
tec
execute0_lowered:
.L_overlay_start_1:
0x0: {  	(tag) =	ssettag $0x1  }
0x1: {  	s4 =	rddreg [dreg:$0x0]  }
0x2: {  	s1 =	rddreg [dreg:$0x1]  }
0x3: {  	s5 =	rddreg [dreg:$0x2]  }
0x4: {  	s0 =	rddreg [dreg:$0x3];
	s6 =	srdreg.scid  }
0x5: {  	s3 =	simm.s32 $0x0;
	s2 =	stileid.u32;
	s10 =	simm.s32 $0xA00  }
0x6: {  	s11 =	simm.s32 $0x1;
	s6 =	sand.u32 $0x1, s6;
	[smem:$0x7FF] =	sst s3  }
0x7: {  	s7 =	sshll.u32 s2, $0xA;
	s8 =	sshll.u32 s6, $0x9;
	s6 =	ssub.s32 $0x2, s6  }
0x8: {  	_ =	strace $0x80000047;
	s7 =	sor.u32 s8, s7;
	s31 =	sshrl.u32 s6, $0x1  }
0x9: {  	s8 =	simm.s32 $0x200;
	s9 =	sshrl.u32 s7, $0x1;
	s7 =	sshll.u32 s7, $0x4  }
0xa: {  	s6 =	ssub.s32 s6, s31;
	s4 =	sadd.s32 s4, s9;
	s5 =	sadd.s32 s5, s7  }
0xb: {  	v0 =	vimm.s32 $0x0;
	s6 =	smax.u32 s6, $0x1;
	s7 =	simm.s32 $0x2;
	s9 =	simm.s32 $0x800  }
.LBB2_1:
0xc: {  	[tilespmem:s3], [sflag:$0x2] =	stream.linear.gather [hbm4b:s4+s3], $0x800, $0x38;
	[tilespmem:$0x10A00] =	vst v63  }
0xd: {  	_ =	swait.ge [sflag:s7], $0x800  }
0xe: {  	[sflag:s7] =	ssyncset.done $0x0  }
0xf: {  	[sflag:s7] =	ssyncadd.s32 $0xFFFFF800  }
0x10: {  	v1 =	vld [tilespmem:$0x0]  }
0x11: {  	v2 =	vld [tilespmem:$0x80]  }
0x12: {  	v3 =	vld [tilespmem:$0x100]  }
0x13: {  	v4 =	vld [tilespmem:$0x10]  }
0x14: {  	v5 =	vld [tilespmem:$0x90]  }
0x15: {  	v6 =	vld [tilespmem:$0x110]  }
0x16: {  	v7 =	vld [tilespmem:$0x20]  }
0x17: {  	v8 =	vld [tilespmem:$0xA0]  }
0x18: {  	v9 =	vld [tilespmem:$0x120]  }
0x19: {  	v10 =	vld [tilespmem:$0x30]  }
0x1a: {  	v11 =	vld [tilespmem:$0xB0]  }
0x1b: {  	v12 =	vld [tilespmem:$0x130]  }
0x1c: {  	v13 =	vld [tilespmem:$0x40]  }
0x1d: {  	v14 =	vld [tilespmem:$0xC0]  }
0x1e: {  	v15 =	vld [tilespmem:$0x140]  }
0x1f: {  	v16 =	vld [tilespmem:$0x50]  }
0x20: {  	v17 =	vld [tilespmem:$0xD0]  }
0x21: {  	v18 =	vld [tilespmem:$0x150]  }
0x22: {  	v19 =	vld [tilespmem:$0x60]  }
0x23: {  	v20 =	vld [tilespmem:$0xE0]  }
0x24: {  	v21 =	vld [tilespmem:$0x160]  }
0x25: {  	v22 =	vld [tilespmem:$0x70]  }
0x26: {  	v23 =	vld [tilespmem:$0xF0]  }
0x27: {  	v24 =	vld [tilespmem:$0x170]  }
0x28: {  	v25 =	vld [tilespmem:$0x200]  }
0x29: {  	v26 =	vld [tilespmem:$0x280]  }
0x2a: {  	v27 =	vld [tilespmem:$0x300]  }
0x2b: {  	v29 =	vld [tilespmem:$0x210]  }
0x2c: {  	v30 =	vld [tilespmem:$0x290]  }
0x2d: {  	v32 =	vld [tilespmem:$0x220]  }
0x2e: {  	v33 =	vld [tilespmem:$0x320]  }
0x2f: {  	v58 =	vld [tilespmem:$0x240];
	v1 =	vmul.u32 $0x3E0, v1  }
0x30: {  	v63 =	vld [tilespmem:$0x250];
	v28 =	vmul.u32 $0x1F, v2;
	vm0 =	vgt.s32 v3, v2;
	v2 =	vmul.u32 $0x3E0, v4  }
0x31: {  	v40 =	vld [tilespmem:$0x2D0];
	v49 =	vmul.u32 $0x1F, v5;
	vm9 =	vgt.s32 v6, v5;
	v50 =	vmul.u32 $0x1F, v8  }
0x32: {  	v43 =	vld [tilespmem:$0x350];
	vm10 =	vgt.s32 v9, v8;
	v51 =	vmul.u32 $0x3E0, v10;
	v52 =	vmul.u32 $0x1F, v11  }
0x33: {  	v37 =	vld [tilespmem:$0x260];
	vm11 =	vgt.s32 v12, v11;
	v56 =	vmul.u32 $0x3E0, v13;
	v57 =	vmul.u32 $0x1F, v14  }
0x34: {  	v45 =	vld [tilespmem:$0x270];
	vm12 =	vgt.s32 v15, v14;
	v60 =	vmul.u32 $0x3E0, v16;
	v61 =	vmul.u32 $0x1F, v17  }
0x35: {  	v10 =	vld [tilespmem:$0x230];
	vm13 =	vgt.s32 v18, v17;
	v41 =	vmul.u32 $0x3E0, v19;
	v42 =	vmul.u32 $0x1F, v20  }
0x36: {  	v11 =	vld [tilespmem:$0x2B0];
	vm14 =	vgt.s32 v21, v20;
	v35 =	vmul.u32 $0x3E0, v22;
	v36 =	vmul.u32 $0x1F, v23  }
0x37: {  	v14 =	vld [tilespmem:$0x2C0];
	vm15 =	vgt.s32 v24, v23;
	v46 =	vmul.u32 $0x3E0, v25;
	v47 =	vmul.u32 $0x1F, v26  }
0x38: {  	v20 =	vld [tilespmem:$0x360];
	vm4 =	vgt.s32 v27, v26;
	v48 =	vmul.u32 $0x3E0, v29;
	v58 =	vmul.u32 $0x3E0, v58  }
0x39: {  	v29 =	vld [tilespmem:$0x370];
	v45 =	vmul.u32 $0x3E0, v45;
	v31 =	vsel vm0, $0xFFFFFFFF, v0;
	v53 =	vsel vm10, $0xFFFFFFFF, v0  }
0x3a: {  	v26 =	vld [tilespmem:$0x480];
	v54 =	vsel vm11, $0xFFFFFFFF, v0;
	v62 =	vsel vm12, $0xFFFFFFFF, v0;
	v39 =	vsel vm13, $0xFFFFFFFF, v0  }
0x3b: {  	v16 =	vld [tilespmem:$0x530];
	v38 =	vsel vm14, $0xFFFFFFFF, v0;
	v44 =	vsel vm15, $0xFFFFFFFF, v0;
	v34 =	vsel vm4, $0xFFFFFFFF, v0  }
0x3c: {  	v1 =	vadd.s32 v1, v28;
	v28 =	vld [tilespmem:$0x310];
	v55 =	vadd.s32 v51, v52;
	v59 =	vadd.s32 v56, v57  }
0x3d: {  	v19 =	vadd.s32 v35, v36;
	v52 =	vmul.u32 $0x3E0, v32;
	v32 =	vld [tilespmem:$0x500];
	v1 =	vadd.s32 v3, v1  }
0x3e: {  	v35 =	vld [tilespmem:$0x520];
	v3 =	vadd.s32 v2, v49;
	v5 =	vadd.s32 v12, v55;
	v19 =	vadd.s32 v24, v19  }
0x3f: {  	v12 =	vld [tilespmem:$0x340];
	v49 =	vmul.u32 $0x1F, v30;
	v2 =	vadd.s32 v31, v1;
	v1 =	vsel vm9, $0xFFFFFFFF, v0  }
0x40: {  	v24 =	vld [tilespmem:$0x2F0];
	v3 =	vadd.s32 v6, v3;
	v6 =	vadd.s32 v60, v61;
	v60 =	vmul.u32 $0x3E0, v63  }
0x41: {  	v31 =	vld [tilespmem:$0x2A0];
	v61 =	vmul.u32 $0x1F, v40;
	vm9 =	vgt.s32 v43, v40;
	v1 =	vadd.s32 v1, v3  }
0x42: {  	v63 =	vld [tilespmem:$0x430];
	v3 =	vmul.u32 $0x3E0, v7;
	v6 =	vadd.s32 v18, v6;
	v7 =	vadd.s32 v41, v42  }
0x43: {  	v25 =	vadd.s32 v48, v49;
	v10 =	vmul.u32 $0x3E0, v10;
	v55 =	vmul.u32 $0x1F, v11;
	v18 =	vld [tilespmem:$0x540]  }
0x44: {  	v41 =	vsel vm9, $0xFFFFFFFF, v0;
	v42 =	vmul.u32 $0x3E0, v37;
	v49 =	vld [tilespmem:$0x450];
	v6 =	vadd.s32 v39, v6  }
0x45: {  	v37 =	vld [tilespmem:$0x4F0];
	v7 =	vadd.s32 v21, v7;
	v40 =	vadd.s32 v60, v61;
	v3 =	vadd.s32 v3, v50  }
0x46: {  	v39 =	vld [tilespmem:$0x2E0];
	v8 =	vadd.s32 v38, v7;
	v7 =	vadd.s32 v44, v19;
	v19 =	vadd.s32 v46, v47  }
0x47: {  	v60 =	vld [tilespmem:$0x560];
	vm5 =	vgt.s32 v28, v30;
	v25 =	vadd.s32 v28, v25;
	v10 =	vadd.s32 v10, v55  }
0x48: {  	v50 =	vld [tilespmem:$0x400];
	vm12 =	vgt.s32 v32, v26;
	v3 =	vadd.s32 v9, v3;
	v19 =	vadd.s32 v27, v19  }
0x49: {  	v30 =	vld [tilespmem:$0x420];
	v51 =	vsel vm5, $0xFFFFFFFF, v0;
	vm8 =	vgt.s32 v12, v14;
	v46 =	vmul.u32 $0x1F, v24  }
0x4a: {  	v44 =	vld [tilespmem:$0x440];
	vm11 =	vgt.s32 v29, v24;
	v4 =	vadd.s32 v53, v3;
	v3 =	vadd.s32 v54, v5  }
0x4b: {  	v47 =	vld [tilespmem:$0x4C0];
	v5 =	vadd.s32 v15, v59;
	v53 =	vmul.u32 $0x1F, v31;
	v19 =	vadd.s32 v34, v19  }
0x4c: {  	v55 =	vld [tilespmem:$0x460];
	v25 =	vadd.s32 v51, v25;
	vm6 =	vgt.s32 v33, v31;
	v59 =	vmul.u32 $0x1F, v14  }
0x4d: {  	v9 =	vld [tilespmem:$0x330];
	v48 =	vsel vm11, $0xFFFFFFFF, v0;
	v13 =	vmul.u32 $0x3E0, v63;
	v5 =	vadd.s32 v62, v5  }
0x4e: {  	v38 =	vld [tilespmem:$0x650];
	v56 =	vsel vm6, $0xFFFFFFFF, v0;
	v62 =	vsel vm8, $0xFFFFFFFF, v0;
	v17 =	vadd.s32 v45, v46  }
0x4f: {  	v54 =	vld [tilespmem:$0x410];
	[tilespmem:$0x830] =	vst v3;
	v3 =	vmul.u32 $0x3E0, v49;
	v28 =	vadd.s32 v52, v53;
	vm10 =	vgt.s32 v20, v39  }
0x50: {  	v31 =	vld [tilespmem:$0x490];
	v17 =	vadd.s32 v29, v17;
	v28 =	vadd.s32 v33, v28;
	v36 =	vsel vm10, $0xFFFFFFFF, v0  }
0x51: {  	v34 =	vld [tilespmem:$0x4A0];
	v23 =	vmul.u32 $0x3E0, v50;
	v50 =	vmul.u32 $0x1F, v26;
	v17 =	vadd.s32 v48, v17  }
0x52: {  	v14 =	vld [tilespmem:$0x4B0];
	vm4 =	vgt.s32 v18, v47;
	vm7 =	vgt.s32 v9, v11;
	v28 =	vadd.s32 v56, v28  }
0x53: {  	v51 =	vld [tilespmem:$0x4D0];
	v9 =	vadd.s32 v9, v10;
	v10 =	vadd.s32 v58, v59;
	v56 =	vsel vm12, $0xFFFFFFFF, v0  }
0x54: {  	v45 =	vld [tilespmem:$0x700];
	v58 =	vmul.u32 $0x3E0, v30;
	v48 =	vsel vm4, $0xFFFFFFFF, v0;
	v57 =	vsel vm7, $0xFFFFFFFF, v0  }
0x55: {  	v49 =	vld [tilespmem:$0x690];
	v10 =	vadd.s32 v12, v10;
	v12 =	vadd.s32 v43, v40;
	v43 =	vmul.u32 $0x1F, v39  }
0x56: {  	v52 =	vld [tilespmem:$0x550];
	v23 =	vadd.s32 v23, v50;
	v53 =	vmul.u32 $0x3E0, v54;
	v54 =	vmul.u32 $0x1F, v31  }
0x57: {  	v33 =	vld [tilespmem:$0x640];
	v59 =	vmul.u32 $0x1F, v34;
	v63 =	vmul.u32 $0x1F, v14;
	vm14 =	vgt.s32 v35, v34  }
0x58: {  	v11 =	vld [tilespmem:$0x510];
	vm15 =	vgt.s32 v16, v14;
	v46 =	vmul.u32 $0x1F, v51;
	v9 =	vadd.s32 v57, v9  }
0x59: {  	v30 =	vld [tilespmem:$0x730];
	v10 =	vadd.s32 v62, v10;
	v12 =	vadd.s32 v41, v12;
	v23 =	vadd.s32 v32, v23  }
0x5a: {  	[tilespmem:$0x800] =	vst v2;
	v40 =	vld [tilespmem:$0x570];
	v2 =	vsel vm14, $0xFFFFFFFF, v0;
	v32 =	vmul.u32 $0x1F, v49;
	v15 =	vadd.s32 v42, v43  }
0x5b: {  	[tilespmem:$0x8A0] =	vst v28;
	v28 =	vld [tilespmem:$0x6B0];
	v24 =	vadd.s32 v53, v54;
	v23 =	vadd.s32 v56, v23;
	v26 =	vadd.s32 v58, v59  }
0x5c: {  	v34 =	vld [tilespmem:$0x6C0];
	v13 =	vadd.s32 v13, v63;
	v43 =	vmul.u32 $0x3E0, v44;
	v44 =	vmul.u32 $0x1F, v47  }
0x5d: {  	v57 =	vld [tilespmem:$0x4E0];
	vm5 =	vgt.s32 v52, v51;
	v3 =	vadd.s32 v3, v46;
	v58 =	vmul.u32 $0x1F, v37  }
0x5e: {  	v62 =	vld [tilespmem:$0x470];
	v15 =	vadd.s32 v20, v15;
	v26 =	vadd.s32 v35, v26;
	v13 =	vadd.s32 v16, v13  }
0x5f: {  	[tilespmem:$0x810] =	vst v1;
	v41 =	vld [tilespmem:$0x600];
	v50 =	vsel vm5, $0xFFFFFFFF, v0;
	v3 =	vadd.s32 v52, v3;
	v52 =	vmul.u32 $0x3E0, v55  }
0x60: {  	[tilespmem:$0x850] =	vst v6;
	v42 =	vld [tilespmem:$0x680];
	v15 =	vadd.s32 v36, v15;
	vm13 =	vgt.s32 v11, v31;
	v11 =	vadd.s32 v11, v24  }
0x61: {  	[tilespmem:$0x820] =	vst v4;
	v47 =	vld [tilespmem:$0x610];
	v1 =	vadd.s32 v2, v26;
	v2 =	vsel vm15, $0xFFFFFFFF, v0;
	v4 =	vadd.s32 v43, v44  }
0x62: {  	[tilespmem:$0x860] =	vst v8;
	v51 =	vld [tilespmem:$0x710];
	v3 =	vadd.s32 v50, v3;
	v61 =	vsel vm13, $0xFFFFFFFF, v0;
	v2 =	vadd.s32 v2, v13  }
0x63: {  	[tilespmem:$0x870] =	vst v7;
	v54 =	vld [tilespmem:$0x620];
	v4 =	vadd.s32 v18, v4;
	vm7 =	vgt.s32 v40, v37;
	v43 =	vmul.u32 $0x1F, v28  }
0x64: {  	[tilespmem:$0x880] =	vst v19;
	v59 =	vld [tilespmem:$0x720];
	vm11 =	vgt.s32 v30, v28;
	v50 =	vmul.u32 $0x1F, v34;
	v11 =	vadd.s32 v61, v11  }
0x65: {  	[tilespmem:$0x890] =	vst v25;
	v55 =	vld [tilespmem:$0x6A0];
	v53 =	vmul.u32 $0x1F, v57;
	v4 =	vadd.s32 v48, v4;
	vm6 =	vgt.s32 v60, v57  }
0x66: {  	[tilespmem:$0x840] =	vst v5;
	v46 =	vld [tilespmem:$0x660];
	v57 =	vmul.u32 $0x3E0, v62;
	v62 =	vmul.u32 $0x3E0, v41;
	v29 =	vsel vm7, $0xFFFFFFFF, v0  }
0x67: {  	[tilespmem:$0x930] =	vst v2;
	v2 =	vsel vm11, $0xFFFFFFFF, v0;
	v63 =	vmul.u32 $0x1F, v42;
	v31 =	vmul.u32 $0x3E0, v47  }
0x68: {  	[tilespmem:$0x8F0] =	vst v17;
	v36 =	vld [tilespmem:$0x740];
	vm8 =	vgt.s32 v45, v42;
	vm9 =	vgt.s32 v51, v49;
	v39 =	vmul.u32 $0x3E0, v54  }
0x69: {  	[tilespmem:$0x8B0] =	vst v9;
	v49 =	vmul.u32 $0x3E0, v33;
	v56 =	vadd.s32 v52, v53;
	v7 =	vadd.s32 v57, v58  }
0x6a: {  	[tilespmem:$0x8C0] =	vst v10;
	v44 =	vld [tilespmem:$0x750];
	v35 =	vsel vm8, $0xFFFFFFFF, v0;
	v37 =	vsel vm9, $0xFFFFFFFF, v0;
	vm10 =	vgt.s32 v59, v55  }
0x6b: {  	[tilespmem:$0x950] =	vst v3;
	v3 =	vld [tilespmem:$0x6F0];
	v53 =	vmul.u32 $0x3E0, v38;
	v58 =	vmul.u32 $0x3E0, v46;
	v6 =	vadd.s32 v60, v56  }
0x6c: {  	[tilespmem:$0x8D0] =	vst v12;
	v61 =	vld [tilespmem:$0x630];
	v60 =	vsel vm6, $0xFFFFFFFF, v0;
	v7 =	vadd.s32 v40, v7;
	v8 =	vadd.s32 v62, v63  }
0x6d: {  	[tilespmem:$0x900] =	vst v23;
	v41 =	vld [tilespmem:$0x6D0];
	v10 =	vadd.s32 v31, v32;
	v40 =	vmul.u32 $0x1F, v55;
	vm12 =	vgt.s32 v36, v34  }
0x6e: {  	[tilespmem:$0x8E0] =	vst v15;
	v47 =	vld [tilespmem:$0x6E0];
	v52 =	vadd.s32 v49, v50;
	v6 =	vadd.s32 v60, v6;
	v7 =	vadd.s32 v29, v7  }
0x6f: {  	[tilespmem:$0x920] =	vst v1;
	v57 =	vld [tilespmem:$0x770];
	v8 =	vadd.s32 v45, v8;
	v10 =	vadd.s32 v51, v10;
	v45 =	vsel vm10, $0xFFFFFFFF, v0  }
0x70: {  	[tilespmem:$0x940] =	vst v4;
	v55 =	vld [tilespmem:$0x760];
	v4 =	vadd.s32 v36, v52;
	v56 =	vsel vm12, $0xFFFFFFFF, v0;
	v62 =	vmul.u32 $0x1F, v3  }
0x71: {  	[tilespmem:$0x910] =	vst v11;
	v51 =	vld [tilespmem:$0x670];
	v8 =	vadd.s32 v35, v8;
	v10 =	vadd.s32 v37, v10;
	v42 =	vmul.u32 $0x3E0, v61  }
0x72: {  	v1 =	vadd.s32 v39, v40;
	[tilespmem:$0x960] =	vst v6;
	v54 =	vmul.u32 $0x1F, v41;
	vm13 =	vgt.s32 v44, v41  }
0x73: {  	[tilespmem:$0x970] =	vst v7;
	v4 =	vadd.s32 v56, v4;
	v1 =	vadd.s32 v59, v1;
	v59 =	vmul.u32 $0x1F, v47  }
0x74: {  	[tilespmem:$0x980] =	vst v8;
	v60 =	vsel vm13, $0xFFFFFFFF, v0;
	v5 =	vadd.s32 v42, v43;
	v1 =	vadd.s32 v45, v1  }
0x75: {  	[tilespmem:$0x990] =	vst v10;
	vm15 =	vgt.s32 v57, v3;
	v48 =	vadd.s32 v30, v5;
	v5 =	vadd.s32 v53, v54  }
0x76: {  	[tilespmem:$0x9A0] =	vst v1;
	v1 =	vadd.s32 v58, v59;
	vm14 =	vgt.s32 v55, v47;
	v61 =	vmul.u32 $0x3E0, v51  }
0x77: {  	[tilespmem:$0x9C0] =	vst v4;
	v2 =	vadd.s32 v2, v48;
	v5 =	vadd.s32 v44, v5;
	v1 =	vadd.s32 v55, v1  }
0x78: {  	v63 =	vsel vm14, $0xFFFFFFFF, v0;
	[tilespmem:$0x9B0] =	vst v2;
	v2 =	vadd.s32 v60, v5;
	v3 =	vadd.s32 v61, v62  }
0x79: {  	v1 =	vadd.s32 v63, v1;
	[tilespmem:$0x9D0] =	vst v2;
	v2 =	vsel vm15, $0xFFFFFFFF, v0;
	v3 =	vadd.s32 v57, v3  }
0x7a: {  	[tilespmem:$0x9E0] =	vst v1;
	v1 =	vadd.s32 v2, v3  }
0x7b: {  	[tilespmem:$0x9F0] =	vst v1  }
0x7c: {  	[tilespmem:s10], [sflag:$0x1] =	stream.indirect.gather [hbm4b:s1+s8], $0x80, s9, s8, $0xb8;
	[tilespmem:$0x10A00] =	vst v63  }
0x7d: {  	_ =	swait.ge [sflag:s11], $0x10000  }
0x7e: {  	p0 =	sne.s32 s6, $0x1;
	[sflag:s11] =	ssyncset.done $0x0  }
.Ltmp0:
0x7f: {  	[sflag:s11] =	ssyncadd.s32 $0xFFFF0000;
	(pc) =	sbr.rel @p0 .LBB2_1-.Ltmp0, $4  }
0x80: {  	[hbm4b:s5+s3] =	stream.linear.scatter [tilespmem:s10], [sflag:$0x2], $0x10000, $0x38;
	[tilespmem:$0x10A00] =	vst v63  }
0x81: {  	_ =	swait.ge [sflag:s7], $0x10000  }
0x82: {  	[sflag:s7] =	ssyncset.done $0x0  }
0x83: {  	s6 =	sadd.s32 $0xFFFFFFFF, s6;
	[sflag:s7] =	ssyncadd.s32 $0xFFFF0000  }
0x84: {  	_ =	sfence.sel $0x180000  }
0x85: {  	[bflag:$0x0] =	sbarrier.arrive $0xFFFF  }
0x86: {  	p0 =	sne.s32 s2, $0x0;
	_ =	strace $0x90000047  }
0x87: {  	s0 =	sadd.s32 @!p0 $0x100000, s0;
	[bflag:$0x2] =	sbarrier.arrive $0xFFFF  }
0x88: {  	[sflag:s0] =	ssyncadd.tile.s32 @!p0 $0x1;
	_ =	shalt  }
.Lfunc_end2:
_tile_overlayer_lowered:
.L_overlay_start_2:
0x89: {  	(tag) =	ssettag $0x2  }
0x8a: {  	s0 =	rddreg [dreg:$0x0];
	s2 =	stileid.u32  }
0x8b: {  	s1 =	rddreg [dreg:$0x1];
	p0 =	sne.s32 s2, $0x0  }
0x8c: {  	s3 =	rddreg [dreg:$0x2];
	[bflag:$0x3] =	sbarrier.arrive $0xFFFF;
	s2 =	simm.s32 @!p0 $0x1C02  }
0x8d: {  	[timem:s3], [sflag:s2] =	dma.local @!p0 [hbm:s0], s1  }
0x8e: {  	s0 =	simm.s32 @!p0 $0x2  }
0x8f: {  	_ =	swait.ge @!p0 [sflag:s0], s1  }
0x90: {  	s1 =	ssub.s32 @!p0 $0x0, s1;
	[sflag:s0] =	ssyncset.done @!p0 $0x0  }
0x91: {  	[sflag:s0] =	ssyncadd.s32 @!p0 s1  }
0x92: {  	[bflag:$0x3] =	sbarrier.arrive $0xFFFF  }
0x93: {  	_ =	shalt  }

</sc_bundles>
